<compile_context>
chip_gen: v7x
topology: tpu7x:2x2x1
jax: 0.10.2.dev20260603
libtpu: 0.0.44.dev20260713+nightly
codegen_flags: <defaults>
</compile_context>

<pallas_src>
import functools

import jax
import jax.numpy as jnp
from jax import lax
from jax.experimental import pallas as pl
from jax.experimental.pallas import tpu as pltpu
from jax.experimental.pallas import tpu_sc as plsc

N = 10000
D = 128
E = 320000
C = 32
NPAD = 10240
NC = 2
NS = 16
NW = NC * NS
K = 128
NB = 80
EPAD = NW * NB * K
RPT = NPAD // NS


@functools.cache
def _sc_kernels():
    mesh = plsc.VectorSubcoreMesh(core_axis_name="c", subcore_axis_name="s",
                                  num_cores=NC, num_subcores=NS)

    sc_params = pltpu.CompilerParams(needs_layout_passes=False)

    deg_kernel = functools.partial(
        pl.kernel,
        out_type=jax.ShapeDtypeStruct((NC, NPAD), jnp.float32),
        mesh=mesh,
        compiler_params=sc_params,
        scratch_types=[
            pltpu.VMEM((NB, K), jnp.int32),
            pltpu.VMEM((NPAD,), jnp.float32),
            pltpu.VMEM((NS, RPT), jnp.float32),
            pltpu.VMEM((RPT,), jnp.float32),
            pltpu.VMEM_SHARED((NS, NPAD), jnp.float32),
        ],
    )(_deg_body)

    scatter_kernel = functools.partial(
        pl.kernel,
        out_type=(jax.ShapeDtypeStruct((NPAD, D), jnp.float32),
                  jax.ShapeDtypeStruct((NPAD, D), jnp.float32)),
        mesh=mesh,
        compiler_params=sc_params,
        scratch_types=[
            pltpu.VMEM((NB, K), jnp.int32),
            pltpu.VMEM((NB, K), jnp.int32),
            pltpu.VMEM((K, D), jnp.float32),
            pltpu.VMEM((K, D), jnp.float32),
            pltpu.VMEM_SHARED((NPAD, D), jnp.float32),
            pltpu.SemaphoreType.DMA,
            pltpu.SemaphoreType.DMA,
        ],
    )(_scatter_body)

    return deg_kernel, scatter_kernel


def _deg_body(dst_hbm, deg_hbm, dst_v, cnt_v, red_v, sum_v, part_sh):
    cid = lax.axis_index("c")
    sid = lax.axis_index("s")
    wid = cid * NS + sid
    pltpu.sync_copy(dst_hbm.at[wid], dst_v)
    zero16 = jnp.zeros((16,), jnp.float32)

    def zb(i, carry):
        cnt_v[pl.ds(i * 16, 16)] = zero16
        return carry

    lax.fori_loop(0, NPAD // 16, zb, 0)
    one16 = jnp.ones((16,), jnp.float32)

    def cb(j, carry):
        for t in range(K // 16):
            idx = dst_v[j, pl.ds(t * 16, 16)]
            plsc.addupdate_scatter(cnt_v, [idx], one16)
        return carry

    lax.fori_loop(0, NB, cb, 0)
    pltpu.sync_copy(cnt_v, part_sh.at[sid])
    plsc.subcore_barrier()
    pltpu.sync_copy(part_sh.at[:, pl.ds(sid * RPT, RPT)], red_v)

    def rb(c, carry):
        s = red_v[0, pl.ds(c * 16, 16)]
        for j in range(1, NS):
            s = s + red_v[j, pl.ds(c * 16, 16)]
        sum_v[pl.ds(c * 16, 16)] = s
        return carry

    lax.fori_loop(0, RPT // 16, rb, 0)
    pltpu.sync_copy(sum_v, deg_hbm.at[cid, pl.ds(sid * RPT, RPT)])


def _scatter_body(h_hbm, src_hbm, dst_hbm, zero_hbm, s0_hbm, s1_hbm,
                  src_v, dst_v, rows0_v, rows1_v, acc_sh, sem0, sem1):
    cid = lax.axis_index("c")
    sid = lax.axis_index("s")
    wid = cid * NS + sid
    r0 = sid * RPT
    pltpu.sync_copy(zero_hbm.at[pl.ds(r0, RPT)], acc_sh.at[pl.ds(r0, RPT)])
    pltpu.sync_copy(src_hbm.at[wid], src_v)
    pltpu.sync_copy(dst_hbm.at[wid], dst_v)
    plsc.subcore_barrier()

    def body(j, carry):
        pltpu.async_copy(h_hbm.at[src_v.at[j]], rows0_v, sem0).wait()
        pltpu.sync_copy(rows0_v, acc_sh.at[dst_v.at[j]], add=True)
        return carry

    lax.fori_loop(0, NB, body, 0)
    plsc.subcore_barrier()

    @pl.when(cid == 0)
    def _():
        pltpu.sync_copy(acc_sh.at[pl.ds(r0, RPT)], s0_hbm.at[pl.ds(r0, RPT)])

    @pl.when(cid == 1)
    def _():
        pltpu.sync_copy(acc_sh.at[pl.ds(r0, RPT)], s1_hbm.at[pl.ds(r0, RPT)])



BR = 1000
G = N // BR


def _l1_body(x_ref, w_ref, d0_ref, d1_ref, h_ref, dinv_ref):
    dinv = lax.rsqrt(d0_ref[...] + d1_ref[...] + 1.0)
    h = jnp.dot(x_ref[...], w_ref[...], preferred_element_type=jnp.float32)
    h_ref[...] = h * dinv
    dinv_ref[...] = dinv


def _mid_body(s0_ref, s1_ref, hp_ref, dinv_ref, b_ref, w_ref, out_ref):
    dinv = dinv_ref[...]
    u = dinv * (s0_ref[...] + s1_ref[...] + hp_ref[...]) + b_ref[...]
    r = jnp.maximum(u, 0.0)
    out_ref[...] = jnp.dot(r, w_ref[...],
                           preferred_element_type=jnp.float32) * dinv


def _norm_body(s0_ref, s1_ref, hp_ref, dinv_ref, b_ref, hn_ref):
    h = dinv_ref[...] * (s0_ref[...] + s1_ref[...] + hp_ref[...]) + b_ref[...]
    ss = jnp.sum(h * h, axis=1, keepdims=True)
    hn_ref[...] = h / jnp.sqrt(ss)


def _proto_body(hn_ref, prot_ref, wl1_ref, bl1_ref, wl2_ref, bl2_ref,
                ascl_ref, op_ref, anch_ref):
    def gb(j, carry):
        anch_ref[pl.ds(j, 1), :] = hn_ref[pl.ds(prot_ref[j], 1), :]
        return carry

    lax.fori_loop(0, 64, gb, 0)
    a = anch_ref[...]
    an = jnp.sqrt(jnp.sum(a * a, axis=1, keepdims=True))
    ascl_ref[...] = a / jnp.maximum(an, 1e-6)
    hid = jnp.maximum(
        jnp.dot(a, wl1_ref[...], preferred_element_type=jnp.float32)
        + bl1_ref[...], 0.0)
    lg = jnp.dot(hid, wl2_ref[...],
                 preferred_element_type=jnp.float32) + bl2_ref[...]
    s = lg - jnp.max(lg, axis=1, keepdims=True)
    op_ref[...] = s - jnp.log(jnp.sum(jnp.exp(s), axis=1, keepdims=True))


def _head_body(hn_ref, ascl_ref, op_ref, out_ref, xrel_ref):
    hn = hn_ref[...]
    xn = jnp.sqrt(jnp.sum(hn * hn, axis=1, keepdims=True))
    hs = hn / jnp.maximum(xn, 1e-6)
    cos = lax.dot_general(hs, ascl_ref[...], (((1,), (1,)), ((), ())),
                          preferred_element_type=jnp.float32)
    xr = (cos + 1.0) * 0.5
    xrel_ref[...] = xr
    lg = jnp.dot(xr, op_ref[...], preferred_element_type=jnp.float32)
    s = lg - jnp.max(lg, axis=1, keepdims=True)
    out_ref[...] = s - jnp.log(jnp.sum(jnp.exp(s), axis=1, keepdims=True))


def _row_spec(cols):
    return pl.BlockSpec((BR, cols), lambda i: (i, 0))


def _full_spec(rows, cols):
    return pl.BlockSpec((rows, cols), lambda i: (0, 0))


def kernel(x, edge_index, epoch, prot, W0, b0, W1, b1, Wl1, bl1, Wl2, bl2):
    ept = E // NW
    padt = NB * K - ept
    idt = edge_index.dtype
    srcp = jnp.concatenate(
        [edge_index[0].reshape(NW, ept),
         jnp.zeros((NW, padt), idt)], axis=1)
    dstp = jnp.concatenate(
        [edge_index[1].reshape(NW, ept),
         jnp.broadcast_to(N + jnp.arange(padt, dtype=idt), (NW, padt))],
        axis=1)
    src3 = srcp.reshape(NW, NB, K)
    dst3 = dstp.reshape(NW, NB, K)
    zeros = jnp.zeros((NPAD, D), jnp.float32)

    deg_kernel, scatter_kernel = _sc_kernels()
    degp = deg_kernel(dst3)
    d0 = degp[0, :N].reshape(N, 1)
    d1 = degp[1, :N].reshape(N, 1)

    h1p, dinv = pl.pallas_call(
        _l1_body,
        grid=(G,),
        in_specs=[_row_spec(D), _full_spec(D, D), _row_spec(1), _row_spec(1)],
        out_specs=[_row_spec(D), _row_spec(1)],
        out_shape=[jax.ShapeDtypeStruct((N, D), jnp.float32),
                   jax.ShapeDtypeStruct((N, 1), jnp.float32)],
    )(x, W0, d0, d1)

    s0, s1 = scatter_kernel(h1p, src3, dst3, zeros)

    h2p = pl.pallas_call(
        _mid_body,
        grid=(G,),
        in_specs=[_row_spec(D), _row_spec(D), _row_spec(D), _row_spec(1),
                  _full_spec(1, D), _full_spec(D, D)],
        out_specs=_row_spec(D),
        out_shape=jax.ShapeDtypeStruct((N, D), jnp.float32),
    )(s0, s1, h1p, dinv, b0.reshape(1, D), W1)

    t0, t1 = scatter_kernel(h2p, src3, dst3, zeros)

    hn = pl.pallas_call(
        _norm_body,
        grid=(G,),
        in_specs=[_row_spec(D), _row_spec(D), _row_spec(D), _row_spec(1),
                  _full_spec(1, D)],
        out_specs=_row_spec(D),
        out_shape=jax.ShapeDtypeStruct((N, D), jnp.float32),
    )(t0, t1, h2p, dinv, b1.reshape(1, D))

    ascl, op = pl.pallas_call(
        _proto_body,
        in_specs=[pl.BlockSpec(memory_space=pltpu.VMEM),
                  pl.BlockSpec(memory_space=pltpu.SMEM),
                  pl.BlockSpec(memory_space=pltpu.VMEM),
                  pl.BlockSpec(memory_space=pltpu.VMEM),
                  pl.BlockSpec(memory_space=pltpu.VMEM),
                  pl.BlockSpec(memory_space=pltpu.VMEM)],
        out_shape=[jax.ShapeDtypeStruct((64, D), jnp.float32),
                   jax.ShapeDtypeStruct((64, C), jnp.float32)],
        scratch_shapes=[pltpu.VMEM((64, D), jnp.float32)],
    )(hn, prot, Wl1, bl1.reshape(1, D), Wl2, bl2.reshape(1, C))

    out, xrel = pl.pallas_call(
        _head_body,
        grid=(G,),
        in_specs=[_row_spec(D), _full_spec(64, D), _full_spec(64, C)],
        out_specs=[pl.BlockSpec((BR, C), lambda i: (i, 0)),
                   pl.BlockSpec((BR, 64), lambda i: (i, 0))],
        out_shape=[jax.ShapeDtypeStruct((N, C), jnp.float32),
                   jax.ShapeDtypeStruct((N, 64), jnp.float32)],
    )(hn, ascl, op)

    return (out, xrel, op)

# --- scband reference (transcript-rebuilt; emitter-appended) ---
"""Pipeline reference for scband-model-random-proto-44315472560255 (READ-ONLY COPY).

The authoritative reference and input builder live on the scoring server;
editing this copy changes nothing except your own understanding.
"""

import jax, jax.numpy as jnp
import numpy as np

N = 10000
E = 320000
D_IN = 128
D_H = 128
C = 32


def _gcn(x, src, dst, W, b):
    h = x @ W
    loop = jnp.arange(N, dtype=src.dtype)
    s = jnp.concatenate([src, loop])
    d = jnp.concatenate([dst, loop])
    deg = jax.ops.segment_sum(jnp.ones(s.shape[0], dtype=h.dtype), d, num_segments=N)
    dinv = jnp.where(deg > 0, jax.lax.rsqrt(deg), 0.0)
    w = dinv[s] * dinv[d]
    msg = h[s] * w[:, None]
    agg = jax.ops.segment_sum(msg, d, num_segments=N)
    return agg + b


def setup_inputs(seed: int = 0):
    key = jax.random.key(seed)
    ks = jax.random.split(key, 12)
    x = jax.random.normal(ks[0], (N, D_IN), dtype=jnp.float32)
    edge_index = jax.random.randint(ks[1], (2, E), 0, N, dtype=jnp.int32)
    prot = jnp.arange(0, 6400, 100, dtype=jnp.int32)
    W0 = jax.random.normal(ks[2], (D_IN, D_H), dtype=jnp.float32) * 0.05
    b0 = jnp.zeros((D_H,), dtype=jnp.float32)
    W1 = jax.random.normal(ks[3], (D_H, D_H), dtype=jnp.float32) * 0.05
    b1 = jnp.zeros((D_H,), dtype=jnp.float32)
    Wl1 = jax.random.normal(ks[4], (D_H, D_H), dtype=jnp.float32) * 0.05
    bl1 = jnp.zeros((D_H,), dtype=jnp.float32)
    Wl2 = jax.random.normal(ks[5], (D_H, C), dtype=jnp.float32) * 0.05
    bl2 = jnp.zeros((C,), dtype=jnp.float32)
    return {"x": x, "edge_index": edge_index, "epoch": 0, "prot": prot,
            "W0": W0, "b0": b0, "W1": W1, "b1": b1,
            "Wl1": Wl1, "bl1": bl1, "Wl2": Wl2, "bl2": bl2}


def reference(x, edge_index, epoch, prot, W0, b0, W1, b1, Wl1, bl1, Wl2, bl2):
    src, dst = edge_index[0], edge_index[1]
    h = _gcn(x, src, dst, W0, b0)
    h = jax.nn.relu(h)
    h = _gcn(h, src, dst, W1, b1)
    qn = jnp.linalg.norm(h, ord=2, axis=1, keepdims=True)
    h = h / qn
    anchors = h[prot]
    xn = jnp.linalg.norm(h, axis=1)
    an = jnp.linalg.norm(anchors, axis=1)
    dot = h @ anchors.T
    cos = dot / (jnp.maximum(xn, 1e-6)[:, None] * jnp.maximum(an, 1e-6)[None, :])
    x_rel = (cos - (-1.0)) / (1.0 - (-1.0))
    hid = jax.nn.relu(anchors @ Wl1 + bl1)
    out_proto = jax.nn.log_softmax(hid @ Wl2 + bl2, axis=-1)
    out = jax.nn.log_softmax(x_rel @ out_proto, axis=-1)
    return (out, x_rel, out_proto)

if __name__ == "__main__":
    import jax
    _d = setup_inputs()
    print(jax.jit(kernel)(*tuple(_d.values())))

</pallas_src>

<mosaic_0001>
#map = affine_map<(d0, d1) -> (0, 0)>
#map1 = affine_map<(d0, d1) -> (0, 0, 0)>
module attributes {stable_mosaic.version = 14 : i64} {
  func.func @_scatter_body(%arg0: i32, %arg1: i32, %arg2: memref<10000x128xf32, #tpu.memory_space<hbm>>, %arg3: memref<32x80x128xi32, #tpu.memory_space<hbm>>, %arg4: memref<32x80x128xi32, #tpu.memory_space<hbm>>, %arg5: memref<10240x128xf32, #tpu.memory_space<hbm>>, %arg6: memref<10240x128xf32, #tpu.memory_space<hbm>>, %arg7: memref<10240x128xf32, #tpu.memory_space<hbm>>, %arg8: memref<80x128xi32, #tpu.memory_space<vmem>>, %arg9: memref<80x128xi32, #tpu.memory_space<vmem>>, %arg10: memref<128x128xf32, #tpu.memory_space<vmem>>, %arg11: memref<128x128xf32, #tpu.memory_space<vmem>>, %arg12: memref<10240x128xf32, #tpu.memory_space<vmem_shared>>, %arg13: memref<!tpu.dma_semaphore, #tpu.memory_space<semaphore_mem>>, %arg14: memref<!tpu.dma_semaphore, #tpu.memory_space<semaphore_mem>>) attributes {dimension_semantics = [#tpu.dimension_semantics<core_parallel>, #tpu.dimension_semantics<subcore_parallel>], iteration_bounds = array<i64: 2, 16>, scalar_prefetch = 0 : i64, scratch_operands = 7 : i64, tpu.core_type = #tpu.core_type<sc_vector_subcore>, window_params = [{transform_indices = #map}, {transform_indices = #map1}, {transform_indices = #map1}, {transform_indices = #map}, {transform_indices = #map}, {transform_indices = #map}]} {
    %mul3A = arith.constant 16 : i32
    %mul3A_0 = arith.muli %arg0, %mul3A : i32
    %add3A = arith.addi %mul3A_0, %arg1 : i32
    %mul3A_1 = arith.constant 640 : i32
    %mul3A_2 = arith.muli %arg1, %mul3A_1 : i32
    "tpu.region"() ({
      %run_scoped3A = tpu.sem_alloc : memref<!tpu.dma_semaphore, #tpu.memory_space<semaphore_mem>>
      %dma_start3A = arith.constant 0 : i32
      %dma_start3A_16 = tpu.memref_slice %arg12[%mul3A_2, %dma_start3A] : memref<10240x128xf32, #tpu.memory_space<vmem_shared>> -> memref<640x128xf32, #tpu.memory_space<vmem_shared>>
      %dma_start3A_17 = arith.constant 0 : i32
      %dma_start3A_18 = tpu.memref_slice %arg5[%mul3A_2, %dma_start3A_17] : memref<10240x128xf32, #tpu.memory_space<hbm>> -> memref<640x128xf32, #tpu.memory_space<hbm>>
      tpu.enqueue_dma source(%dma_start3A_18 : memref<640x128xf32, #tpu.memory_space<hbm>>) target(%dma_start3A_16 : memref<640x128xf32, #tpu.memory_space<vmem_shared>>) target_semaphore(%run_scoped3A : memref<!tpu.dma_semaphore, #tpu.memory_space<semaphore_mem>>)
      %dma_wait3A = arith.constant 0 : i32
      %dma_wait3A_19 = tpu.memref_slice %arg12[%mul3A_2, %dma_wait3A] : memref<10240x128xf32, #tpu.memory_space<vmem_shared>> -> memref<640x128xf32, #tpu.memory_space<vmem_shared>>
      %dma_wait3A_20 = arith.constant 0 : i32
      %dma_wait3A_21 = tpu.memref_slice %arg5[%mul3A_2, %dma_wait3A_20] : memref<10240x128xf32, #tpu.memory_space<hbm>> -> memref<640x128xf32, #tpu.memory_space<hbm>>
      tpu.wait_dma2 semaphore(%run_scoped3A : memref<!tpu.dma_semaphore, #tpu.memory_space<semaphore_mem>>) src(%dma_wait3A_21 : memref<640x128xf32, #tpu.memory_space<hbm>>) dst(%dma_wait3A_19 : memref<640x128xf32, #tpu.memory_space<vmem_shared>>)
      tpu.yield
    }) : () -> ()
    "tpu.region"() ({
      %run_scoped3A = tpu.sem_alloc : memref<!tpu.dma_semaphore, #tpu.memory_space<semaphore_mem>>
      %dma_start3A = arith.constant 0 : i32
      %dma_start3A_16 = arith.constant 0 : i32
      %dma_start3A_17 = tpu.memref_slice %arg3[%add3A, %dma_start3A, %dma_start3A_16] : memref<32x80x128xi32, #tpu.memory_space<hbm>> -> memref<1x80x128xi32, #tpu.memory_space<hbm>>
      %dma_start3A_18 = tpu.memref_squeeze %dma_start3A_17 : memref<1x80x128xi32, #tpu.memory_space<hbm>> -> memref<80x128xi32, #tpu.memory_space<hbm>>
      %dma_start3A_19 = arith.constant 0 : i32
      %dma_start3A_20 = arith.constant 0 : i32
      %dma_start3A_21 = tpu.memref_slice %arg3[%add3A, %dma_start3A_19, %dma_start3A_20] : memref<32x80x128xi32, #tpu.memory_space<hbm>> -> memref<1x80x128xi32, #tpu.memory_space<hbm>>
      %dma_start3A_22 = tpu.memref_squeeze %dma_start3A_21 : memref<1x80x128xi32, #tpu.memory_space<hbm>> -> memref<80x128xi32, #tpu.memory_space<hbm>>
      tpu.enqueue_dma source(%dma_start3A_22 : memref<80x128xi32, #tpu.memory_space<hbm>>) target(%arg8 : memref<80x128xi32, #tpu.memory_space<vmem>>) target_semaphore(%run_scoped3A : memref<!tpu.dma_semaphore, #tpu.memory_space<semaphore_mem>>)
      %dma_wait3A = arith.constant 0 : i32
      %dma_wait3A_23 = arith.constant 0 : i32
      %dma_wait3A_24 = tpu.memref_slice %arg3[%add3A, %dma_wait3A, %dma_wait3A_23] : memref<32x80x128xi32, #tpu.memory_space<hbm>> -> memref<1x80x128xi32, #tpu.memory_space<hbm>>
      %dma_wait3A_25 = tpu.memref_squeeze %dma_wait3A_24 : memref<1x80x128xi32, #tpu.memory_space<hbm>> -> memref<80x128xi32, #tpu.memory_space<hbm>>
      %dma_wait3A_26 = arith.constant 0 : i32
      %dma_wait3A_27 = arith.constant 0 : i32
      %dma_wait3A_28 = tpu.memref_slice %arg3[%add3A, %dma_wait3A_26, %dma_wait3A_27] : memref<32x80x128xi32, #tpu.memory_space<hbm>> -> memref<1x80x128xi32, #tpu.memory_space<hbm>>
      %dma_wait3A_29 = tpu.memref_squeeze %dma_wait3A_28 : memref<1x80x128xi32, #tpu.memory_space<hbm>> -> memref<80x128xi32, #tpu.memory_space<hbm>>
      tpu.wait_dma2 semaphore(%run_scoped3A : memref<!tpu.dma_semaphore, #tpu.memory_space<semaphore_mem>>) src(%dma_wait3A_29 : memref<80x128xi32, #tpu.memory_space<hbm>>) dst(%arg8 : memref<80x128xi32, #tpu.memory_space<vmem>>)
      tpu.yield
    }) : () -> ()
    "tpu.region"() ({
      %run_scoped3A = tpu.sem_alloc : memref<!tpu.dma_semaphore, #tpu.memory_space<semaphore_mem>>
      %dma_start3A = arith.constant 0 : i32
      %dma_start3A_16 = arith.constant 0 : i32
      %dma_start3A_17 = tpu.memref_slice %arg4[%add3A, %dma_start3A, %dma_start3A_16] : memref<32x80x128xi32, #tpu.memory_space<hbm>> -> memref<1x80x128xi32, #tpu.memory_space<hbm>>
      %dma_start3A_18 = tpu.memref_squeeze %dma_start3A_17 : memref<1x80x128xi32, #tpu.memory_space<hbm>> -> memref<80x128xi32, #tpu.memory_space<hbm>>
      %dma_start3A_19 = arith.constant 0 : i32
      %dma_start3A_20 = arith.constant 0 : i32
      %dma_start3A_21 = tpu.memref_slice %arg4[%add3A, %dma_start3A_19, %dma_start3A_20] : memref<32x80x128xi32, #tpu.memory_space<hbm>> -> memref<1x80x128xi32, #tpu.memory_space<hbm>>
      %dma_start3A_22 = tpu.memref_squeeze %dma_start3A_21 : memref<1x80x128xi32, #tpu.memory_space<hbm>> -> memref<80x128xi32, #tpu.memory_space<hbm>>
      tpu.enqueue_dma source(%dma_start3A_22 : memref<80x128xi32, #tpu.memory_space<hbm>>) target(%arg9 : memref<80x128xi32, #tpu.memory_space<vmem>>) target_semaphore(%run_scoped3A : memref<!tpu.dma_semaphore, #tpu.memory_space<semaphore_mem>>)
      %dma_wait3A = arith.constant 0 : i32
      %dma_wait3A_23 = arith.constant 0 : i32
      %dma_wait3A_24 = tpu.memref_slice %arg4[%add3A, %dma_wait3A, %dma_wait3A_23] : memref<32x80x128xi32, #tpu.memory_space<hbm>> -> memref<1x80x128xi32, #tpu.memory_space<hbm>>
      %dma_wait3A_25 = tpu.memref_squeeze %dma_wait3A_24 : memref<1x80x128xi32, #tpu.memory_space<hbm>> -> memref<80x128xi32, #tpu.memory_space<hbm>>
      %dma_wait3A_26 = arith.constant 0 : i32
      %dma_wait3A_27 = arith.constant 0 : i32
      %dma_wait3A_28 = tpu.memref_slice %arg4[%add3A, %dma_wait3A_26, %dma_wait3A_27] : memref<32x80x128xi32, #tpu.memory_space<hbm>> -> memref<1x80x128xi32, #tpu.memory_space<hbm>>
      %dma_wait3A_29 = tpu.memref_squeeze %dma_wait3A_28 : memref<1x80x128xi32, #tpu.memory_space<hbm>> -> memref<80x128xi32, #tpu.memory_space<hbm>>
      tpu.wait_dma2 semaphore(%run_scoped3A : memref<!tpu.dma_semaphore, #tpu.memory_space<semaphore_mem>>) src(%dma_wait3A_29 : memref<80x128xi32, #tpu.memory_space<hbm>>) dst(%arg9 : memref<80x128xi32, #tpu.memory_space<vmem>>)
      tpu.yield
    }) : () -> ()
    %barrier3A = arith.constant 0 : index
    tpu.barrier barrier_id(%barrier3A)
    %scan3A = arith.constant 0 : i32
    %scan3A_3 = arith.constant 0 : i32
    %scan3A_4 = arith.constant 80 : i32
    %scan3A_5 = arith.addi %scan3A_3, %scan3A_4 : i32
    %scan3A_6 = arith.constant 1 : i32
    scf.for %scan3A_16 = %scan3A_3 to %scan3A_5 step %scan3A_6  : i32 {
      %dma_start3A = arith.constant 0 : i32
      %dma_start3A_17 = tpu.memref_slice %arg8[%scan3A_16, %dma_start3A] : memref<80x128xi32, #tpu.memory_space<vmem>> -> memref<1x128xi32, #tpu.memory_space<vmem>>
      %dma_start3A_18 = tpu.memref_squeeze %dma_start3A_17 : memref<1x128xi32, #tpu.memory_space<vmem>> -> memref<128xi32, #tpu.memory_space<vmem>>
      %dma_start3A_19 = arith.constant 0 : i32
      %dma_start3A_20 = arith.constant 0 : i32
      %dma_start3A_21 = tpu.memref_slice %arg2[%dma_start3A_19, %dma_start3A_20] : memref<10000x128xf32, #tpu.memory_space<hbm>> -> memref<10000x128xf32, #tpu.memory_space<hbm>>
      tpu.enqueue_indirect_dma source(%dma_start3A_21 : memref<10000x128xf32, #tpu.memory_space<hbm>>) target(%arg10 : memref<128x128xf32, #tpu.memory_space<vmem>>) offsets(%dma_start3A_18 : memref<128xi32, #tpu.memory_space<vmem>>) semaphore(%arg13 : memref<!tpu.dma_semaphore, #tpu.memory_space<semaphore_mem>>)
      %dma_wait3A = arith.constant 0 : i32
      %dma_wait3A_22 = tpu.memref_slice %arg8[%scan3A_16, %dma_wait3A] : memref<80x128xi32, #tpu.memory_space<vmem>> -> memref<1x128xi32, #tpu.memory_space<vmem>>
      %dma_wait3A_23 = tpu.memref_squeeze %dma_wait3A_22 : memref<1x128xi32, #tpu.memory_space<vmem>> -> memref<128xi32, #tpu.memory_space<vmem>>
      %dma_wait3A_24 = arith.constant 0 : i32
      %dma_wait3A_25 = arith.constant 0 : i32
      %dma_wait3A_26 = tpu.memref_slice %arg2[%dma_wait3A_24, %dma_wait3A_25] : memref<10000x128xf32, #tpu.memory_space<hbm>> -> memref<10000x128xf32, #tpu.memory_space<hbm>>
      tpu.wait_indirect_dma semaphore(%arg13 : memref<!tpu.dma_semaphore, #tpu.memory_space<semaphore_mem>>) src(%dma_wait3A_26 : memref<10000x128xf32, #tpu.memory_space<hbm>>) dst(%arg10 : memref<128x128xf32, #tpu.memory_space<vmem>>)
      "tpu.region"() ({
        %run_scoped3A = tpu.sem_alloc : memref<!tpu.dma_semaphore, #tpu.memory_space<semaphore_mem>>
        %dma_start3A_27 = arith.constant 0 : i32
        %dma_start3A_28 = tpu.memref_slice %arg9[%scan3A_16, %dma_start3A_27] : memref<80x128xi32, #tpu.memory_space<vmem>> -> memref<1x128xi32, #tpu.memory_space<vmem>>
        %dma_start3A_29 = tpu.memref_squeeze %dma_start3A_28 : memref<1x128xi32, #tpu.memory_space<vmem>> -> memref<128xi32, #tpu.memory_space<vmem>>
        %dma_start3A_30 = arith.constant 0 : i32
        %dma_start3A_31 = arith.constant 0 : i32
        %dma_start3A_32 = tpu.memref_slice %arg12[%dma_start3A_30, %dma_start3A_31] : memref<10240x128xf32, #tpu.memory_space<vmem_shared>> -> memref<10240x128xf32, #tpu.memory_space<vmem_shared>>
        tpu.enqueue_indirect_dma source(%arg10 : memref<128x128xf32, #tpu.memory_space<vmem>>) target(%dma_start3A_32 : memref<10240x128xf32, #tpu.memory_space<vmem_shared>>) offsets(%dma_start3A_29 : memref<128xi32, #tpu.memory_space<vmem>>) semaphore(%run_scoped3A : memref<!tpu.dma_semaphore, #tpu.memory_space<semaphore_mem>>) {add = true}
        %dma_wait3A_33 = arith.constant 0 : i32
        %dma_wait3A_34 = tpu.memref_slice %arg9[%scan3A_16, %dma_wait3A_33] : memref<80x128xi32, #tpu.memory_space<vmem>> -> memref<1x128xi32, #tpu.memory_space<vmem>>
        %dma_wait3A_35 = tpu.memref_squeeze %dma_wait3A_34 : memref<1x128xi32, #tpu.memory_space<vmem>> -> memref<128xi32, #tpu.memory_space<vmem>>
        %dma_wait3A_36 = arith.constant 0 : i32
        %dma_wait3A_37 = arith.constant 0 : i32
        %dma_wait3A_38 = tpu.memref_slice %arg12[%dma_wait3A_36, %dma_wait3A_37] : memref<10240x128xf32, #tpu.memory_space<vmem_shared>> -> memref<10240x128xf32, #tpu.memory_space<vmem_shared>>
        tpu.wait_indirect_dma semaphore(%run_scoped3A : memref<!tpu.dma_semaphore, #tpu.memory_space<semaphore_mem>>) src(%arg10 : memref<128x128xf32, #tpu.memory_space<vmem>>) dst(%dma_wait3A_38 : memref<10240x128xf32, #tpu.memory_space<vmem_shared>>)
        tpu.yield
      }) : () -> ()
    }
    %scan3A_7 = arith.constant 80 : i32
    %barrier3A_8 = arith.constant 0 : index
    tpu.barrier barrier_id(%barrier3A_8)
    %eq3A = arith.constant 0 : i32
    %eq3A_9 = arith.cmpi eq, %arg0, %eq3A : i32
    %convert_element_type3A = arith.extui %eq3A_9 : i1 to i32
    %cond3A = arith.constant 0 : i32
    %cond3A_10 = arith.cmpi ne, %convert_element_type3A, %cond3A : i32
    scf.if %cond3A_10 {
      "tpu.region"() ({
        %run_scoped3A = tpu.sem_alloc : memref<!tpu.dma_semaphore, #tpu.memory_space<semaphore_mem>>
        %dma_start3A = arith.constant 0 : i32
        %dma_start3A_16 = tpu.memref_slice %arg6[%mul3A_2, %dma_start3A] : memref<10240x128xf32, #tpu.memory_space<hbm>> -> memref<640x128xf32, #tpu.memory_space<hbm>>
        %dma_start3A_17 = arith.constant 0 : i32
        %dma_start3A_18 = tpu.memref_slice %arg12[%mul3A_2, %dma_start3A_17] : memref<10240x128xf32, #tpu.memory_space<vmem_shared>> -> memref<640x128xf32, #tpu.memory_space<vmem_shared>>
        tpu.enqueue_dma source(%dma_start3A_18 : memref<640x128xf32, #tpu.memory_space<vmem_shared>>) target(%dma_start3A_16 : memref<640x128xf32, #tpu.memory_space<hbm>>) target_semaphore(%run_scoped3A : memref<!tpu.dma_semaphore, #tpu.memory_space<semaphore_mem>>)
        %dma_wait3A = arith.constant 0 : i32
        %dma_wait3A_19 = tpu.memref_slice %arg6[%mul3A_2, %dma_wait3A] : memref<10240x128xf32, #tpu.memory_space<hbm>> -> memref<640x128xf32, #tpu.memory_space<hbm>>
        %dma_wait3A_20 = arith.constant 0 : i32
        %dma_wait3A_21 = tpu.memref_slice %arg12[%mul3A_2, %dma_wait3A_20] : memref<10240x128xf32, #tpu.memory_space<vmem_shared>> -> memref<640x128xf32, #tpu.memory_space<vmem_shared>>
        tpu.wait_dma2 semaphore(%run_scoped3A : memref<!tpu.dma_semaphore, #tpu.memory_space<semaphore_mem>>) src(%dma_wait3A_21 : memref<640x128xf32, #tpu.memory_space<vmem_shared>>) dst(%dma_wait3A_19 : memref<640x128xf32, #tpu.memory_space<hbm>>)
        tpu.yield
      }) : () -> ()
    } else {
    }
    %eq3A_11 = arith.constant 1 : i32
    %eq3A_12 = arith.cmpi eq, %arg0, %eq3A_11 : i32
    %convert_element_type3A_13 = arith.extui %eq3A_12 : i1 to i32
    %cond3A_14 = arith.constant 0 : i32
    %cond3A_15 = arith.cmpi ne, %convert_element_type3A_13, %cond3A_14 : i32
    scf.if %cond3A_15 {
      "tpu.region"() ({
        %run_scoped3A = tpu.sem_alloc : memref<!tpu.dma_semaphore, #tpu.memory_space<semaphore_mem>>
        %dma_start3A = arith.constant 0 : i32
        %dma_start3A_16 = tpu.memref_slice %arg7[%mul3A_2, %dma_start3A] : memref<10240x128xf32, #tpu.memory_space<hbm>> -> memref<640x128xf32, #tpu.memory_space<hbm>>
        %dma_start3A_17 = arith.constant 0 : i32
        %dma_start3A_18 = tpu.memref_slice %arg12[%mul3A_2, %dma_start3A_17] : memref<10240x128xf32, #tpu.memory_space<vmem_shared>> -> memref<640x128xf32, #tpu.memory_space<vmem_shared>>
        tpu.enqueue_dma source(%dma_start3A_18 : memref<640x128xf32, #tpu.memory_space<vmem_shared>>) target(%dma_start3A_16 : memref<640x128xf32, #tpu.memory_space<hbm>>) target_semaphore(%run_scoped3A : memref<!tpu.dma_semaphore, #tpu.memory_space<semaphore_mem>>)
        %dma_wait3A = arith.constant 0 : i32
        %dma_wait3A_19 = tpu.memref_slice %arg7[%mul3A_2, %dma_wait3A] : memref<10240x128xf32, #tpu.memory_space<hbm>> -> memref<640x128xf32, #tpu.memory_space<hbm>>
        %dma_wait3A_20 = arith.constant 0 : i32
        %dma_wait3A_21 = tpu.memref_slice %arg12[%mul3A_2, %dma_wait3A_20] : memref<10240x128xf32, #tpu.memory_space<vmem_shared>> -> memref<640x128xf32, #tpu.memory_space<vmem_shared>>
        tpu.wait_dma2 semaphore(%run_scoped3A : memref<!tpu.dma_semaphore, #tpu.memory_space<semaphore_mem>>) src(%dma_wait3A_21 : memref<640x128xf32, #tpu.memory_space<vmem_shared>>) dst(%dma_wait3A_19 : memref<640x128xf32, #tpu.memory_space<hbm>>)
        tpu.yield
      }) : () -> ()
    } else {
    }
    return
  }
}

#map = affine_map<(d0, d1) -> (0, 0, 0)>
#map1 = affine_map<(d0, d1) -> (0, 0)>
module attributes {stable_mosaic.version = 14 : i64} {
  func.func @_deg_body(%arg0: i32, %arg1: i32, %arg2: memref<32x80x128xi32, #tpu.memory_space<hbm>>, %arg3: memref<2x10240xf32, #tpu.memory_space<hbm>>, %arg4: memref<80x128xi32, #tpu.memory_space<vmem>>, %arg5: memref<10240xf32, #tpu.memory_space<vmem>>, %arg6: memref<16x640xf32, #tpu.memory_space<vmem>>, %arg7: memref<640xf32, #tpu.memory_space<vmem>>, %arg8: memref<16x10240xf32, #tpu.memory_space<vmem_shared>>) attributes {dimension_semantics = [#tpu.dimension_semantics<core_parallel>, #tpu.dimension_semantics<subcore_parallel>], iteration_bounds = array<i64: 2, 16>, scalar_prefetch = 0 : i64, scratch_operands = 5 : i64, tpu.core_type = #tpu.core_type<sc_vector_subcore>, window_params = [{transform_indices = #map}, {transform_indices = #map1}]} {
    %mul3A = arith.constant 16 : i32
    %mul3A_0 = arith.muli %arg0, %mul3A : i32
    %add3A = arith.addi %mul3A_0, %arg1 : i32
    "tpu.region"() ({
      %run_scoped3A = tpu.sem_alloc : memref<!tpu.dma_semaphore, #tpu.memory_space<semaphore_mem>>
      %dma_start3A = arith.constant 0 : i32
      %dma_start3A_25 = arith.constant 0 : i32
      %dma_start3A_26 = tpu.memref_slice %arg2[%add3A, %dma_start3A, %dma_start3A_25] : memref<32x80x128xi32, #tpu.memory_space<hbm>> -> memref<1x80x128xi32, #tpu.memory_space<hbm>>
      %dma_start3A_27 = tpu.memref_squeeze %dma_start3A_26 : memref<1x80x128xi32, #tpu.memory_space<hbm>> -> memref<80x128xi32, #tpu.memory_space<hbm>>
      %dma_start3A_28 = arith.constant 0 : i32
      %dma_start3A_29 = arith.constant 0 : i32
      %dma_start3A_30 = tpu.memref_slice %arg2[%add3A, %dma_start3A_28, %dma_start3A_29] : memref<32x80x128xi32, #tpu.memory_space<hbm>> -> memref<1x80x128xi32, #tpu.memory_space<hbm>>
      %dma_start3A_31 = tpu.memref_squeeze %dma_start3A_30 : memref<1x80x128xi32, #tpu.memory_space<hbm>> -> memref<80x128xi32, #tpu.memory_space<hbm>>
      tpu.enqueue_dma source(%dma_start3A_31 : memref<80x128xi32, #tpu.memory_space<hbm>>) target(%arg4 : memref<80x128xi32, #tpu.memory_space<vmem>>) target_semaphore(%run_scoped3A : memref<!tpu.dma_semaphore, #tpu.memory_space<semaphore_mem>>)
      %dma_wait3A = arith.constant 0 : i32
      %dma_wait3A_32 = arith.constant 0 : i32
      %dma_wait3A_33 = tpu.memref_slice %arg2[%add3A, %dma_wait3A, %dma_wait3A_32] : memref<32x80x128xi32, #tpu.memory_space<hbm>> -> memref<1x80x128xi32, #tpu.memory_space<hbm>>
      %dma_wait3A_34 = tpu.memref_squeeze %dma_wait3A_33 : memref<1x80x128xi32, #tpu.memory_space<hbm>> -> memref<80x128xi32, #tpu.memory_space<hbm>>
      %dma_wait3A_35 = arith.constant 0 : i32
      %dma_wait3A_36 = arith.constant 0 : i32
      %dma_wait3A_37 = tpu.memref_slice %arg2[%add3A, %dma_wait3A_35, %dma_wait3A_36] : memref<32x80x128xi32, #tpu.memory_space<hbm>> -> memref<1x80x128xi32, #tpu.memory_space<hbm>>
      %dma_wait3A_38 = tpu.memref_squeeze %dma_wait3A_37 : memref<1x80x128xi32, #tpu.memory_space<hbm>> -> memref<80x128xi32, #tpu.memory_space<hbm>>
      tpu.wait_dma2 semaphore(%run_scoped3A : memref<!tpu.dma_semaphore, #tpu.memory_space<semaphore_mem>>) src(%dma_wait3A_38 : memref<80x128xi32, #tpu.memory_space<hbm>>) dst(%arg4 : memref<80x128xi32, #tpu.memory_space<vmem>>)
      tpu.yield
    }) : () -> ()
    %broadcast_in_dim3A = arith.constant 0.000000e+00 : f32
    %broadcast_in_dim3A_1 = vector.broadcast %broadcast_in_dim3A : f32 to vector<16xf32>
    %scan3A = arith.constant 0 : i32
    %scan3A_2 = arith.constant 0 : i32
    %scan3A_3 = arith.constant 640 : i32
    %scan3A_4 = arith.addi %scan3A_2, %scan3A_3 : i32
    %scan3A_5 = arith.constant 1 : i32
    scf.for %scan3A_25 = %scan3A_2 to %scan3A_4 step %scan3A_5  : i32 {
      %mul3A_26 = arith.constant 16 : i32
      %mul3A_27 = arith.muli %scan3A_25, %mul3A_26 : i32
      %swap3A = arith.index_cast %mul3A_27 : i32 to index
      %swap3A_28 = tpu.vector_load %arg5[%swap3A] {strides = array<i32>} : memref<10240xf32, #tpu.memory_space<vmem>>, vector<16xf32>,
      tpu.vector_store %arg5[%swap3A], %broadcast_in_dim3A_1 {strides = array<i32>} : memref<10240xf32, #tpu.memory_space<vmem>>, vector<16xf32>,
    }
    %scan3A_6 = arith.constant 640 : i32
    %broadcast_in_dim3A_7 = arith.constant 1.000000e+00 : f32
    %broadcast_in_dim3A_8 = vector.broadcast %broadcast_in_dim3A_7 : f32 to vector<16xf32>
    %scan3A_9 = arith.constant 0 : i32
    %scan3A_10 = arith.constant 0 : i32
    %scan3A_11 = arith.constant 80 : i32
    %scan3A_12 = arith.addi %scan3A_10, %scan3A_11 : i32
    %scan3A_13 = arith.constant 1 : i32
    scf.for %scan3A_25 = %scan3A_10 to %scan3A_12 step %scan3A_13  : i32 {
      %get3A = arith.index_cast %scan3A_25 : i32 to index
      %get3A_26 = arith.constant 0 : index
      %get3A_27 = tpu.vector_load %arg4[%get3A, %get3A_26] {strides = array<i32>} : memref<80x128xi32, #tpu.memory_space<vmem>>, vector<16xi32>,
      tpu.vector_store_idx %arg5[%get3A_27], %broadcast_in_dim3A_8 {add = true} : memref<10240xf32, #tpu.memory_space<vmem>>[vector<16xi32>], vector<16xf32>,
      %get3A_28 = arith.index_cast %scan3A_25 : i32 to index
      %get3A_29 = arith.constant 16 : index
      %get3A_30 = tpu.vector_load %arg4[%get3A_28, %get3A_29] {strides = array<i32>} : memref<80x128xi32, #tpu.memory_space<vmem>>, vector<16xi32>,
      tpu.vector_store_idx %arg5[%get3A_30], %broadcast_in_dim3A_8 {add = true} : memref<10240xf32, #tpu.memory_space<vmem>>[vector<16xi32>], vector<16xf32>,
      %get3A_31 = arith.index_cast %scan3A_25 : i32 to index
      %get3A_32 = arith.constant 32 : index
      %get3A_33 = tpu.vector_load %arg4[%get3A_31, %get3A_32] {strides = array<i32>} : memref<80x128xi32, #tpu.memory_space<vmem>>, vector<16xi32>,
      tpu.vector_store_idx %arg5[%get3A_33], %broadcast_in_dim3A_8 {add = true} : memref<10240xf32, #tpu.memory_space<vmem>>[vector<16xi32>], vector<16xf32>,
      %get3A_34 = arith.index_cast %scan3A_25 : i32 to index
      %get3A_35 = arith.constant 48 : index
      %get3A_36 = tpu.vector_load %arg4[%get3A_34, %get3A_35] {strides = array<i32>} : memref<80x128xi32, #tpu.memory_space<vmem>>, vector<16xi32>,
      tpu.vector_store_idx %arg5[%get3A_36], %broadcast_in_dim3A_8 {add = true} : memref<10240xf32, #tpu.memory_space<vmem>>[vector<16xi32>], vector<16xf32>,
      %get3A_37 = arith.index_cast %scan3A_25 : i32 to index
      %get3A_38 = arith.constant 64 : index
      %get3A_39 = tpu.vector_load %arg4[%get3A_37, %get3A_38] {strides = array<i32>} : memref<80x128xi32, #tpu.memory_space<vmem>>, vector<16xi32>,
      tpu.vector_store_idx %arg5[%get3A_39], %broadcast_in_dim3A_8 {add = true} : memref<10240xf32, #tpu.memory_space<vmem>>[vector<16xi32>], vector<16xf32>,
      %get3A_40 = arith.index_cast %scan3A_25 : i32 to index
      %get3A_41 = arith.constant 80 : index
      %get3A_42 = tpu.vector_load %arg4[%get3A_40, %get3A_41] {strides = array<i32>} : memref<80x128xi32, #tpu.memory_space<vmem>>, vector<16xi32>,
      tpu.vector_store_idx %arg5[%get3A_42], %broadcast_in_dim3A_8 {add = true} : memref<10240xf32, #tpu.memory_space<vmem>>[vector<16xi32>], vector<16xf32>,
      %get3A_43 = arith.index_cast %scan3A_25 : i32 to index
      %get3A_44 = arith.constant 96 : index
      %get3A_45 = tpu.vector_load %arg4[%get3A_43, %get3A_44] {strides = array<i32>} : memref<80x128xi32, #tpu.memory_space<vmem>>, vector<16xi32>,
      tpu.vector_store_idx %arg5[%get3A_45], %broadcast_in_dim3A_8 {add = true} : memref<10240xf32, #tpu.memory_space<vmem>>[vector<16xi32>], vector<16xf32>,
      %get3A_46 = arith.index_cast %scan3A_25 : i32 to index
      %get3A_47 = arith.constant 112 : index
      %get3A_48 = tpu.vector_load %arg4[%get3A_46, %get3A_47] {strides = array<i32>} : memref<80x128xi32, #tpu.memory_space<vmem>>, vector<16xi32>,
      tpu.vector_store_idx %arg5[%get3A_48], %broadcast_in_dim3A_8 {add = true} : memref<10240xf32, #tpu.memory_space<vmem>>[vector<16xi32>], vector<16xf32>,
    }
    %scan3A_14 = arith.constant 80 : i32
    "tpu.region"() ({
      %run_scoped3A = tpu.sem_alloc : memref<!tpu.dma_semaphore, #tpu.memory_space<semaphore_mem>>
      %dma_start3A = arith.constant 0 : i32
      %dma_start3A_25 = tpu.memref_slice %arg8[%arg1, %dma_start3A] : memref<16x10240xf32, #tpu.memory_space<vmem_shared>> -> memref<1x10240xf32, #tpu.memory_space<vmem_shared>>
      %dma_start3A_26 = tpu.memref_squeeze %dma_start3A_25 : memref<1x10240xf32, #tpu.memory_space<vmem_shared>> -> memref<10240xf32, #tpu.memory_space<vmem_shared>>
      %dma_start3A_27 = arith.constant 0 : i32
      %dma_start3A_28 = tpu.memref_slice %arg8[%arg1, %dma_start3A_27] : memref<16x10240xf32, #tpu.memory_space<vmem_shared>> -> memref<1x10240xf32, #tpu.memory_space<vmem_shared>>
      %dma_start3A_29 = tpu.memref_squeeze %dma_start3A_28 : memref<1x10240xf32, #tpu.memory_space<vmem_shared>> -> memref<10240xf32, #tpu.memory_space<vmem_shared>>
      tpu.enqueue_dma source(%arg5 : memref<10240xf32, #tpu.memory_space<vmem>>) target(%dma_start3A_29 : memref<10240xf32, #tpu.memory_space<vmem_shared>>) target_semaphore(%run_scoped3A : memref<!tpu.dma_semaphore, #tpu.memory_space<semaphore_mem>>)
      %dma_wait3A = arith.constant 0 : i32
      %dma_wait3A_30 = tpu.memref_slice %arg8[%arg1, %dma_wait3A] : memref<16x10240xf32, #tpu.memory_space<vmem_shared>> -> memref<1x10240xf32, #tpu.memory_space<vmem_shared>>
      %dma_wait3A_31 = tpu.memref_squeeze %dma_wait3A_30 : memref<1x10240xf32, #tpu.memory_space<vmem_shared>> -> memref<10240xf32, #tpu.memory_space<vmem_shared>>
      %dma_wait3A_32 = arith.constant 0 : i32
      %dma_wait3A_33 = tpu.memref_slice %arg8[%arg1, %dma_wait3A_32] : memref<16x10240xf32, #tpu.memory_space<vmem_shared>> -> memref<1x10240xf32, #tpu.memory_space<vmem_shared>>
      %dma_wait3A_34 = tpu.memref_squeeze %dma_wait3A_33 : memref<1x10240xf32, #tpu.memory_space<vmem_shared>> -> memref<10240xf32, #tpu.memory_space<vmem_shared>>
      tpu.wait_dma2 semaphore(%run_scoped3A : memref<!tpu.dma_semaphore, #tpu.memory_space<semaphore_mem>>) src(%arg5 : memref<10240xf32, #tpu.memory_space<vmem>>) dst(%dma_wait3A_34 : memref<10240xf32, #tpu.memory_space<vmem_shared>>)
      tpu.yield
    }) : () -> ()
    %barrier3A = arith.constant 0 : index
    tpu.barrier barrier_id(%barrier3A)
    %mul3A_15 = arith.constant 640 : i32
    %mul3A_16 = arith.muli %arg1, %mul3A_15 : i32
    "tpu.region"() ({
      %run_scoped3A = tpu.sem_alloc : memref<!tpu.dma_semaphore, #tpu.memory_space<semaphore_mem>>
      %dma_start3A = arith.constant 0 : i32
      %dma_start3A_25 = tpu.memref_slice %arg8[%dma_start3A, %mul3A_16] : memref<16x10240xf32, #tpu.memory_space<vmem_shared>> -> memref<16x640xf32, #tpu.memory_space<vmem_shared>>
      %dma_start3A_26 = arith.constant 0 : i32
      %dma_start3A_27 = tpu.memref_slice %arg8[%dma_start3A_26, %mul3A_16] : memref<16x10240xf32, #tpu.memory_space<vmem_shared>> -> memref<16x640xf32, #tpu.memory_space<vmem_shared>>
      tpu.enqueue_dma source(%dma_start3A_27 : memref<16x640xf32, #tpu.memory_space<vmem_shared>>) target(%arg6 : memref<16x640xf32, #tpu.memory_space<vmem>>) target_semaphore(%run_scoped3A : memref<!tpu.dma_semaphore, #tpu.memory_space<semaphore_mem>>)
      %dma_wait3A = arith.constant 0 : i32
      %dma_wait3A_28 = tpu.memref_slice %arg8[%dma_wait3A, %mul3A_16] : memref<16x10240xf32, #tpu.memory_space<vmem_shared>> -> memref<16x640xf32, #tpu.memory_space<vmem_shared>>
      %dma_wait3A_29 = arith.constant 0 : i32
      %dma_wait3A_30 = tpu.memref_slice %arg8[%dma_wait3A_29, %mul3A_16] : memref<16x10240xf32, #tpu.memory_space<vmem_shared>> -> memref<16x640xf32, #tpu.memory_space<vmem_shared>>
      tpu.wait_dma2 semaphore(%run_scoped3A : memref<!tpu.dma_semaphore, #tpu.memory_space<semaphore_mem>>) src(%dma_wait3A_30 : memref<16x640xf32, #tpu.memory_space<vmem_shared>>) dst(%arg6 : memref<16x640xf32, #tpu.memory_space<vmem>>)
      tpu.yield
    }) : () -> ()
    %scan3A_17 = arith.constant 0 : i32
    %scan3A_18 = arith.constant 0 : i32
    %scan3A_19 = arith.constant 40 : i32
    %scan3A_20 = arith.addi %scan3A_18, %scan3A_19 : i32
    %scan3A_21 = arith.constant 1 : i32
    scf.for %scan3A_25 = %scan3A_18 to %scan3A_20 step %scan3A_21  : i32 {
      %mul3A_26 = arith.constant 16 : i32
      %mul3A_27 = arith.muli %scan3A_25, %mul3A_26 : i32
      %get3A = arith.constant 0 : i32
      %get3A_28 = arith.index_cast %get3A : i32 to index
      %get3A_29 = arith.index_cast %mul3A_27 : i32 to index
      %get3A_30 = tpu.vector_load %arg6[%get3A_28, %get3A_29] {strides = array<i32>} : memref<16x640xf32, #tpu.memory_space<vmem>>, vector<16xf32>,
      %mul3A_31 = arith.constant 16 : i32
      %mul3A_32 = arith.muli %scan3A_25, %mul3A_31 : i32
      %get3A_33 = arith.constant 1 : i32
      %get3A_34 = arith.index_cast %get3A_33 : i32 to index
      %get3A_35 = arith.index_cast %mul3A_32 : i32 to index
      %get3A_36 = tpu.vector_load %arg6[%get3A_34, %get3A_35] {strides = array<i32>} : memref<16x640xf32, #tpu.memory_space<vmem>>, vector<16xf32>,
      %add3A_37 = arith.addf %get3A_30, %get3A_36 : vector<16xf32>
      %mul3A_38 = arith.constant 16 : i32
      %mul3A_39 = arith.muli %scan3A_25, %mul3A_38 : i32
      %get3A_40 = arith.constant 2 : i32
      %get3A_41 = arith.index_cast %get3A_40 : i32 to index
      %get3A_42 = arith.index_cast %mul3A_39 : i32 to index
      %get3A_43 = tpu.vector_load %arg6[%get3A_41, %get3A_42] {strides = array<i32>} : memref<16x640xf32, #tpu.memory_space<vmem>>, vector<16xf32>,
      %add3A_44 = arith.addf %add3A_37, %get3A_43 : vector<16xf32>
      %mul3A_45 = arith.constant 16 : i32
      %mul3A_46 = arith.muli %scan3A_25, %mul3A_45 : i32
      %get3A_47 = arith.constant 3 : i32
      %get3A_48 = arith.index_cast %get3A_47 : i32 to index
      %get3A_49 = arith.index_cast %mul3A_46 : i32 to index
      %get3A_50 = tpu.vector_load %arg6[%get3A_48, %get3A_49] {strides = array<i32>} : memref<16x640xf32, #tpu.memory_space<vmem>>, vector<16xf32>,
      %add3A_51 = arith.addf %add3A_44, %get3A_50 : vector<16xf32>
      %mul3A_52 = arith.constant 16 : i32
      %mul3A_53 = arith.muli %scan3A_25, %mul3A_52 : i32
      %get3A_54 = arith.constant 4 : i32
      %get3A_55 = arith.index_cast %get3A_54 : i32 to index
      %get3A_56 = arith.index_cast %mul3A_53 : i32 to index
      %get3A_57 = tpu.vector_load %arg6[%get3A_55, %get3A_56] {strides = array<i32>} : memref<16x640xf32, #tpu.memory_space<vmem>>, vector<16xf32>,
      %add3A_58 = arith.addf %add3A_51, %get3A_57 : vector<16xf32>
      %mul3A_59 = arith.constant 16 : i32
      %mul3A_60 = arith.muli %scan3A_25, %mul3A_59 : i32
      %get3A_61 = arith.constant 5 : i32
      %get3A_62 = arith.index_cast %get3A_61 : i32 to index
      %get3A_63 = arith.index_cast %mul3A_60 : i32 to index
      %get3A_64 = tpu.vector_load %arg6[%get3A_62, %get3A_63] {strides = array<i32>} : memref<16x640xf32, #tpu.memory_space<vmem>>, vector<16xf32>,
      %add3A_65 = arith.addf %add3A_58, %get3A_64 : vector<16xf32>
      %mul3A_66 = arith.constant 16 : i32
      %mul3A_67 = arith.muli %scan3A_25, %mul3A_66 : i32
      %get3A_68 = arith.constant 6 : i32
      %get3A_69 = arith.index_cast %get3A_68 : i32 to index
      %get3A_70 = arith.index_cast %mul3A_67 : i32 to index
      %get3A_71 = tpu.vector_load %arg6[%get3A_69, %get3A_70] {strides = array<i32>} : memref<16x640xf32, #tpu.memory_space<vmem>>, vector<16xf32>,
      %add3A_72 = arith.addf %add3A_65, %get3A_71 : vector<16xf32>
      %mul3A_73 = arith.constant 16 : i32
      %mul3A_74 = arith.muli %scan3A_25, %mul3A_73 : i32
      %get3A_75 = arith.constant 7 : i32
      %get3A_76 = arith.index_cast %get3A_75 : i32 to index
      %get3A_77 = arith.index_cast %mul3A_74 : i32 to index
      %get3A_78 = tpu.vector_load %arg6[%get3A_76, %get3A_77] {strides = array<i32>} : memref<16x640xf32, #tpu.memory_space<vmem>>, vector<16xf32>,
      %add3A_79 = arith.addf %add3A_72, %get3A_78 : vector<16xf32>
      %mul3A_80 = arith.constant 16 : i32
      %mul3A_81 = arith.muli %scan3A_25, %mul3A_80 : i32
      %get3A_82 = arith.constant 8 : i32
      %get3A_83 = arith.index_cast %get3A_82 : i32 to index
      %get3A_84 = arith.index_cast %mul3A_81 : i32 to index
      %get3A_85 = tpu.vector_load %arg6[%get3A_83, %get3A_84] {strides = array<i32>} : memref<16x640xf32, #tpu.memory_space<vmem>>, vector<16xf32>,
      %add3A_86 = arith.addf %add3A_79, %get3A_85 : vector<16xf32>
      %mul3A_87 = arith.constant 16 : i32
      %mul3A_88 = arith.muli %scan3A_25, %mul3A_87 : i32
      %get3A_89 = arith.constant 9 : i32
      %get3A_90 = arith.index_cast %get3A_89 : i32 to index
      %get3A_91 = arith.index_cast %mul3A_88 : i32 to index
      %get3A_92 = tpu.vector_load %arg6[%get3A_90, %get3A_91] {strides = array<i32>} : memref<16x640xf32, #tpu.memory_space<vmem>>, vector<16xf32>,
      %add3A_93 = arith.addf %add3A_86, %get3A_92 : vector<16xf32>
      %mul3A_94 = arith.constant 16 : i32
      %mul3A_95 = arith.muli %scan3A_25, %mul3A_94 : i32
      %get3A_96 = arith.constant 10 : i32
      %get3A_97 = arith.index_cast %get3A_96 : i32 to index
      %get3A_98 = arith.index_cast %mul3A_95 : i32 to index
      %get3A_99 = tpu.vector_load %arg6[%get3A_97, %get3A_98] {strides = array<i32>} : memref<16x640xf32, #tpu.memory_space<vmem>>, vector<16xf32>,
      %add3A_100 = arith.addf %add3A_93, %get3A_99 : vector<16xf32>
      %mul3A_101 = arith.constant 16 : i32
      %mul3A_102 = arith.muli %scan3A_25, %mul3A_101 : i32
      %get3A_103 = arith.constant 11 : i32
      %get3A_104 = arith.index_cast %get3A_103 : i32 to index
      %get3A_105 = arith.index_cast %mul3A_102 : i32 to index
      %get3A_106 = tpu.vector_load %arg6[%get3A_104, %get3A_105] {strides = array<i32>} : memref<16x640xf32, #tpu.memory_space<vmem>>, vector<16xf32>,
      %add3A_107 = arith.addf %add3A_100, %get3A_106 : vector<16xf32>
      %mul3A_108 = arith.constant 16 : i32
      %mul3A_109 = arith.muli %scan3A_25, %mul3A_108 : i32
      %get3A_110 = arith.constant 12 : i32
      %get3A_111 = arith.index_cast %get3A_110 : i32 to index
      %get3A_112 = arith.index_cast %mul3A_109 : i32 to index
      %get3A_113 = tpu.vector_load %arg6[%get3A_111, %get3A_112] {strides = array<i32>} : memref<16x640xf32, #tpu.memory_space<vmem>>, vector<16xf32>,
      %add3A_114 = arith.addf %add3A_107, %get3A_113 : vector<16xf32>
      %mul3A_115 = arith.constant 16 : i32
      %mul3A_116 = arith.muli %scan3A_25, %mul3A_115 : i32
      %get3A_117 = arith.constant 13 : i32
      %get3A_118 = arith.index_cast %get3A_117 : i32 to index
      %get3A_119 = arith.index_cast %mul3A_116 : i32 to index
      %get3A_120 = tpu.vector_load %arg6[%get3A_118, %get3A_119] {strides = array<i32>} : memref<16x640xf32, #tpu.memory_space<vmem>>, vector<16xf32>,
      %add3A_121 = arith.addf %add3A_114, %get3A_120 : vector<16xf32>
      %mul3A_122 = arith.constant 16 : i32
      %mul3A_123 = arith.muli %scan3A_25, %mul3A_122 : i32
      %get3A_124 = arith.constant 14 : i32
      %get3A_125 = arith.index_cast %get3A_124 : i32 to index
      %get3A_126 = arith.index_cast %mul3A_123 : i32 to index
      %get3A_127 = tpu.vector_load %arg6[%get3A_125, %get3A_126] {strides = array<i32>} : memref<16x640xf32, #tpu.memory_space<vmem>>, vector<16xf32>,
      %add3A_128 = arith.addf %add3A_121, %get3A_127 : vector<16xf32>
      %mul3A_129 = arith.constant 16 : i32
      %mul3A_130 = arith.muli %scan3A_25, %mul3A_129 : i32
      %get3A_131 = arith.constant 15 : i32
      %get3A_132 = arith.index_cast %get3A_131 : i32 to index
      %get3A_133 = arith.index_cast %mul3A_130 : i32 to index
      %get3A_134 = tpu.vector_load %arg6[%get3A_132, %get3A_133] {strides = array<i32>} : memref<16x640xf32, #tpu.memory_space<vmem>>, vector<16xf32>,
      %add3A_135 = arith.addf %add3A_128, %get3A_134 : vector<16xf32>
      %mul3A_136 = arith.constant 16 : i32
      %mul3A_137 = arith.muli %scan3A_25, %mul3A_136 : i32
      %swap3A = arith.index_cast %mul3A_137 : i32 to index
      %swap3A_138 = tpu.vector_load %arg7[%swap3A] {strides = array<i32>} : memref<640xf32, #tpu.memory_space<vmem>>, vector<16xf32>,
      tpu.vector_store %arg7[%swap3A], %add3A_135 {strides = array<i32>} : memref<640xf32, #tpu.memory_space<vmem>>, vector<16xf32>,
    }
    %scan3A_22 = arith.constant 40 : i32
    %mul3A_23 = arith.constant 640 : i32
    %mul3A_24 = arith.muli %arg1, %mul3A_23 : i32
    "tpu.region"() ({
      %run_scoped3A = tpu.sem_alloc : memref<!tpu.dma_semaphore, #tpu.memory_space<semaphore_mem>>
      %dma_start3A = tpu.memref_slice %arg3[%arg0, %mul3A_24] : memref<2x10240xf32, #tpu.memory_space<hbm>> -> memref<1x640xf32, #tpu.memory_space<hbm>>
      %dma_start3A_25 = tpu.memref_squeeze %dma_start3A : memref<1x640xf32, #tpu.memory_space<hbm>> -> memref<640xf32, #tpu.memory_space<hbm>>
      %dma_start3A_26 = tpu.memref_slice %arg3[%arg0, %mul3A_24] : memref<2x10240xf32, #tpu.memory_space<hbm>> -> memref<1x640xf32, #tpu.memory_space<hbm>>
      %dma_start3A_27 = tpu.memref_squeeze %dma_start3A_26 : memref<1x640xf32, #tpu.memory_space<hbm>> -> memref<640xf32, #tpu.memory_space<hbm>>
      tpu.enqueue_dma source(%arg7 : memref<640xf32, #tpu.memory_space<vmem>>) target(%dma_start3A_27 : memref<640xf32, #tpu.memory_space<hbm>>) target_semaphore(%run_scoped3A : memref<!tpu.dma_semaphore, #tpu.memory_space<semaphore_mem>>)
      %dma_wait3A = tpu.memref_slice %arg3[%arg0, %mul3A_24] : memref<2x10240xf32, #tpu.memory_space<hbm>> -> memref<1x640xf32, #tpu.memory_space<hbm>>
      %dma_wait3A_28 = tpu.memref_squeeze %dma_wait3A : memref<1x640xf32, #tpu.memory_space<hbm>> -> memref<640xf32, #tpu.memory_space<hbm>>
      %dma_wait3A_29 = tpu.memref_slice %arg3[%arg0, %mul3A_24] : memref<2x10240xf32, #tpu.memory_space<hbm>> -> memref<1x640xf32, #tpu.memory_space<hbm>>
      %dma_wait3A_30 = tpu.memref_squeeze %dma_wait3A_29 : memref<1x640xf32, #tpu.memory_space<hbm>> -> memref<640xf32, #tpu.memory_space<hbm>>
      tpu.wait_dma2 semaphore(%run_scoped3A : memref<!tpu.dma_semaphore, #tpu.memory_space<semaphore_mem>>) src(%arg7 : memref<640xf32, #tpu.memory_space<vmem>>) dst(%dma_wait3A_30 : memref<640xf32, #tpu.memory_space<hbm>>)
      tpu.yield
    }) : () -> ()
    return
  }
}

#map = affine_map<(d0, d1) -> (0, 0)>
#map1 = affine_map<(d0, d1) -> (0, 0, 0)>
module attributes {stable_mosaic.version = 14 : i64} {
  func.func @_scatter_body(%arg0: i32, %arg1: i32, %arg2: memref<10000x128xf32, #tpu.memory_space<hbm>>, %arg3: memref<32x80x128xi32, #tpu.memory_space<hbm>>, %arg4: memref<32x80x128xi32, #tpu.memory_space<hbm>>, %arg5: memref<10240x128xf32, #tpu.memory_space<hbm>>, %arg6: memref<10240x128xf32, #tpu.memory_space<hbm>>, %arg7: memref<10240x128xf32, #tpu.memory_space<hbm>>, %arg8: memref<80x128xi32, #tpu.memory_space<vmem>>, %arg9: memref<80x128xi32, #tpu.memory_space<vmem>>, %arg10: memref<128x128xf32, #tpu.memory_space<vmem>>, %arg11: memref<128x128xf32, #tpu.memory_space<vmem>>, %arg12: memref<10240x128xf32, #tpu.memory_space<vmem_shared>>, %arg13: memref<!tpu.dma_semaphore, #tpu.memory_space<semaphore_mem>>, %arg14: memref<!tpu.dma_semaphore, #tpu.memory_space<semaphore_mem>>) attributes {dimension_semantics = [#tpu.dimension_semantics<core_parallel>, #tpu.dimension_semantics<subcore_parallel>], iteration_bounds = array<i64: 2, 16>, scalar_prefetch = 0 : i64, scratch_operands = 7 : i64, tpu.core_type = #tpu.core_type<sc_vector_subcore>, window_params = [{transform_indices = #map}, {transform_indices = #map1}, {transform_indices = #map1}, {transform_indices = #map}, {transform_indices = #map}, {transform_indices = #map}]} {
    %mul3A = arith.constant 16 : i32
    %mul3A_0 = arith.muli %arg0, %mul3A : i32
    %add3A = arith.addi %mul3A_0, %arg1 : i32
    %mul3A_1 = arith.constant 640 : i32
    %mul3A_2 = arith.muli %arg1, %mul3A_1 : i32
    "tpu.region"() ({
      %run_scoped3A = tpu.sem_alloc : memref<!tpu.dma_semaphore, #tpu.memory_space<semaphore_mem>>
      %dma_start3A = arith.constant 0 : i32
      %dma_start3A_16 = tpu.memref_slice %arg12[%mul3A_2, %dma_start3A] : memref<10240x128xf32, #tpu.memory_space<vmem_shared>> -> memref<640x128xf32, #tpu.memory_space<vmem_shared>>
      %dma_start3A_17 = arith.constant 0 : i32
      %dma_start3A_18 = tpu.memref_slice %arg5[%mul3A_2, %dma_start3A_17] : memref<10240x128xf32, #tpu.memory_space<hbm>> -> memref<640x128xf32, #tpu.memory_space<hbm>>
      tpu.enqueue_dma source(%dma_start3A_18 : memref<640x128xf32, #tpu.memory_space<hbm>>) target(%dma_start3A_16 : memref<640x128xf32, #tpu.memory_space<vmem_shared>>) target_semaphore(%run_scoped3A : memref<!tpu.dma_semaphore, #tpu.memory_space<semaphore_mem>>)
      %dma_wait3A = arith.constant 0 : i32
      %dma_wait3A_19 = tpu.memref_slice %arg12[%mul3A_2, %dma_wait3A] : memref<10240x128xf32, #tpu.memory_space<vmem_shared>> -> memref<640x128xf32, #tpu.memory_space<vmem_shared>>
      %dma_wait3A_20 = arith.constant 0 : i32
      %dma_wait3A_21 = tpu.memref_slice %arg5[%mul3A_2, %dma_wait3A_20] : memref<10240x128xf32, #tpu.memory_space<hbm>> -> memref<640x128xf32, #tpu.memory_space<hbm>>
      tpu.wait_dma2 semaphore(%run_scoped3A : memref<!tpu.dma_semaphore, #tpu.memory_space<semaphore_mem>>) src(%dma_wait3A_21 : memref<640x128xf32, #tpu.memory_space<hbm>>) dst(%dma_wait3A_19 : memref<640x128xf32, #tpu.memory_space<vmem_shared>>)
      tpu.yield
    }) : () -> ()
    "tpu.region"() ({
      %run_scoped3A = tpu.sem_alloc : memref<!tpu.dma_semaphore, #tpu.memory_space<semaphore_mem>>
      %dma_start3A = arith.constant 0 : i32
      %dma_start3A_16 = arith.constant 0 : i32
      %dma_start3A_17 = tpu.memref_slice %arg3[%add3A, %dma_start3A, %dma_start3A_16] : memref<32x80x128xi32, #tpu.memory_space<hbm>> -> memref<1x80x128xi32, #tpu.memory_space<hbm>>
      %dma_start3A_18 = tpu.memref_squeeze %dma_start3A_17 : memref<1x80x128xi32, #tpu.memory_space<hbm>> -> memref<80x128xi32, #tpu.memory_space<hbm>>
      %dma_start3A_19 = arith.constant 0 : i32
      %dma_start3A_20 = arith.constant 0 : i32
      %dma_start3A_21 = tpu.memref_slice %arg3[%add3A, %dma_start3A_19, %dma_start3A_20] : memref<32x80x128xi32, #tpu.memory_space<hbm>> -> memref<1x80x128xi32, #tpu.memory_space<hbm>>
      %dma_start3A_22 = tpu.memref_squeeze %dma_start3A_21 : memref<1x80x128xi32, #tpu.memory_space<hbm>> -> memref<80x128xi32, #tpu.memory_space<hbm>>
      tpu.enqueue_dma source(%dma_start3A_22 : memref<80x128xi32, #tpu.memory_space<hbm>>) target(%arg8 : memref<80x128xi32, #tpu.memory_space<vmem>>) target_semaphore(%run_scoped3A : memref<!tpu.dma_semaphore, #tpu.memory_space<semaphore_mem>>)
      %dma_wait3A = arith.constant 0 : i32
      %dma_wait3A_23 = arith.constant 0 : i32
      %dma_wait3A_24 = tpu.memref_slice %arg3[%add3A, %dma_wait3A, %dma_wait3A_23] : memref<32x80x128xi32, #tpu.memory_space<hbm>> -> memref<1x80x128xi32, #tpu.memory_space<hbm>>
      %dma_wait3A_25 = tpu.memref_squeeze %dma_wait3A_24 : memref<1x80x128xi32, #tpu.memory_space<hbm>> -> memref<80x128xi32, #tpu.memory_space<hbm>>
      %dma_wait3A_26 = arith.constant 0 : i32
      %dma_wait3A_27 = arith.constant 0 : i32
      %dma_wait3A_28 = tpu.memref_slice %arg3[%add3A, %dma_wait3A_26, %dma_wait3A_27] : memref<32x80x128xi32, #tpu.memory_space<hbm>> -> memref<1x80x128xi32, #tpu.memory_space<hbm>>
      %dma_wait3A_29 = tpu.memref_squeeze %dma_wait3A_28 : memref<1x80x128xi32, #tpu.memory_space<hbm>> -> memref<80x128xi32, #tpu.memory_space<hbm>>
      tpu.wait_dma2 semaphore(%run_scoped3A : memref<!tpu.dma_semaphore, #tpu.memory_space<semaphore_mem>>) src(%dma_wait3A_29 : memref<80x128xi32, #tpu.memory_space<hbm>>) dst(%arg8 : memref<80x128xi32, #tpu.memory_space<vmem>>)
      tpu.yield
    }) : () -> ()
    "tpu.region"() ({
      %run_scoped3A = tpu.sem_alloc : memref<!tpu.dma_semaphore, #tpu.memory_space<semaphore_mem>>
      %dma_start3A = arith.constant 0 : i32
      %dma_start3A_16 = arith.constant 0 : i32
      %dma_start3A_17 = tpu.memref_slice %arg4[%add3A, %dma_start3A, %dma_start3A_16] : memref<32x80x128xi32, #tpu.memory_space<hbm>> -> memref<1x80x128xi32, #tpu.memory_space<hbm>>
      %dma_start3A_18 = tpu.memref_squeeze %dma_start3A_17 : memref<1x80x128xi32, #tpu.memory_space<hbm>> -> memref<80x128xi32, #tpu.memory_space<hbm>>
      %dma_start3A_19 = arith.constant 0 : i32
      %dma_start3A_20 = arith.constant 0 : i32
      %dma_start3A_21 = tpu.memref_slice %arg4[%add3A, %dma_start3A_19, %dma_start3A_20] : memref<32x80x128xi32, #tpu.memory_space<hbm>> -> memref<1x80x128xi32, #tpu.memory_space<hbm>>
      %dma_start3A_22 = tpu.memref_squeeze %dma_start3A_21 : memref<1x80x128xi32, #tpu.memory_space<hbm>> -> memref<80x128xi32, #tpu.memory_space<hbm>>
      tpu.enqueue_dma source(%dma_start3A_22 : memref<80x128xi32, #tpu.memory_space<hbm>>) target(%arg9 : memref<80x128xi32, #tpu.memory_space<vmem>>) target_semaphore(%run_scoped3A : memref<!tpu.dma_semaphore, #tpu.memory_space<semaphore_mem>>)
      %dma_wait3A = arith.constant 0 : i32
      %dma_wait3A_23 = arith.constant 0 : i32
      %dma_wait3A_24 = tpu.memref_slice %arg4[%add3A, %dma_wait3A, %dma_wait3A_23] : memref<32x80x128xi32, #tpu.memory_space<hbm>> -> memref<1x80x128xi32, #tpu.memory_space<hbm>>
      %dma_wait3A_25 = tpu.memref_squeeze %dma_wait3A_24 : memref<1x80x128xi32, #tpu.memory_space<hbm>> -> memref<80x128xi32, #tpu.memory_space<hbm>>
      %dma_wait3A_26 = arith.constant 0 : i32
      %dma_wait3A_27 = arith.constant 0 : i32
      %dma_wait3A_28 = tpu.memref_slice %arg4[%add3A, %dma_wait3A_26, %dma_wait3A_27] : memref<32x80x128xi32, #tpu.memory_space<hbm>> -> memref<1x80x128xi32, #tpu.memory_space<hbm>>
      %dma_wait3A_29 = tpu.memref_squeeze %dma_wait3A_28 : memref<1x80x128xi32, #tpu.memory_space<hbm>> -> memref<80x128xi32, #tpu.memory_space<hbm>>
      tpu.wait_dma2 semaphore(%run_scoped3A : memref<!tpu.dma_semaphore, #tpu.memory_space<semaphore_mem>>) src(%dma_wait3A_29 : memref<80x128xi32, #tpu.memory_space<hbm>>) dst(%arg9 : memref<80x128xi32, #tpu.memory_space<vmem>>)
      tpu.yield
    }) : () -> ()
    %barrier3A = arith.constant 0 : index
    tpu.barrier barrier_id(%barrier3A)
    %scan3A = arith.constant 0 : i32
    %scan3A_3 = arith.constant 0 : i32
    %scan3A_4 = arith.constant 80 : i32
    %scan3A_5 = arith.addi %scan3A_3, %scan3A_4 : i32
    %scan3A_6 = arith.constant 1 : i32
    scf.for %scan3A_16 = %scan3A_3 to %scan3A_5 step %scan3A_6  : i32 {
      %dma_start3A = arith.constant 0 : i32
      %dma_start3A_17 = tpu.memref_slice %arg8[%scan3A_16, %dma_start3A] : memref<80x128xi32, #tpu.memory_space<vmem>> -> memref<1x128xi32, #tpu.memory_space<vmem>>
      %dma_start3A_18 = tpu.memref_squeeze %dma_start3A_17 : memref<1x128xi32, #tpu.memory_space<vmem>> -> memref<128xi32, #tpu.memory_space<vmem>>
      %dma_start3A_19 = arith.constant 0 : i32
      %dma_start3A_20 = arith.constant 0 : i32
      %dma_start3A_21 = tpu.memref_slice %arg2[%dma_start3A_19, %dma_start3A_20] : memref<10000x128xf32, #tpu.memory_space<hbm>> -> memref<10000x128xf32, #tpu.memory_space<hbm>>
      tpu.enqueue_indirect_dma source(%dma_start3A_21 : memref<10000x128xf32, #tpu.memory_space<hbm>>) target(%arg10 : memref<128x128xf32, #tpu.memory_space<vmem>>) offsets(%dma_start3A_18 : memref<128xi32, #tpu.memory_space<vmem>>) semaphore(%arg13 : memref<!tpu.dma_semaphore, #tpu.memory_space<semaphore_mem>>)
      %dma_wait3A = arith.constant 0 : i32
      %dma_wait3A_22 = tpu.memref_slice %arg8[%scan3A_16, %dma_wait3A] : memref<80x128xi32, #tpu.memory_space<vmem>> -> memref<1x128xi32, #tpu.memory_space<vmem>>
      %dma_wait3A_23 = tpu.memref_squeeze %dma_wait3A_22 : memref<1x128xi32, #tpu.memory_space<vmem>> -> memref<128xi32, #tpu.memory_space<vmem>>
      %dma_wait3A_24 = arith.constant 0 : i32
      %dma_wait3A_25 = arith.constant 0 : i32
      %dma_wait3A_26 = tpu.memref_slice %arg2[%dma_wait3A_24, %dma_wait3A_25] : memref<10000x128xf32, #tpu.memory_space<hbm>> -> memref<10000x128xf32, #tpu.memory_space<hbm>>
      tpu.wait_indirect_dma semaphore(%arg13 : memref<!tpu.dma_semaphore, #tpu.memory_space<semaphore_mem>>) src(%dma_wait3A_26 : memref<10000x128xf32, #tpu.memory_space<hbm>>) dst(%arg10 : memref<128x128xf32, #tpu.memory_space<vmem>>)
      "tpu.region"() ({
        %run_scoped3A = tpu.sem_alloc : memref<!tpu.dma_semaphore, #tpu.memory_space<semaphore_mem>>
        %dma_start3A_27 = arith.constant 0 : i32
        %dma_start3A_28 = tpu.memref_slice %arg9[%scan3A_16, %dma_start3A_27] : memref<80x128xi32, #tpu.memory_space<vmem>> -> memref<1x128xi32, #tpu.memory_space<vmem>>
        %dma_start3A_29 = tpu.memref_squeeze %dma_start3A_28 : memref<1x128xi32, #tpu.memory_space<vmem>> -> memref<128xi32, #tpu.memory_space<vmem>>
        %dma_start3A_30 = arith.constant 0 : i32
        %dma_start3A_31 = arith.constant 0 : i32
        %dma_start3A_32 = tpu.memref_slice %arg12[%dma_start3A_30, %dma_start3A_31] : memref<10240x128xf32, #tpu.memory_space<vmem_shared>> -> memref<10240x128xf32, #tpu.memory_space<vmem_shared>>
        tpu.enqueue_indirect_dma source(%arg10 : memref<128x128xf32, #tpu.memory_space<vmem>>) target(%dma_start3A_32 : memref<10240x128xf32, #tpu.memory_space<vmem_shared>>) offsets(%dma_start3A_29 : memref<128xi32, #tpu.memory_space<vmem>>) semaphore(%run_scoped3A : memref<!tpu.dma_semaphore, #tpu.memory_space<semaphore_mem>>) {add = true}
        %dma_wait3A_33 = arith.constant 0 : i32
        %dma_wait3A_34 = tpu.memref_slice %arg9[%scan3A_16, %dma_wait3A_33] : memref<80x128xi32, #tpu.memory_space<vmem>> -> memref<1x128xi32, #tpu.memory_space<vmem>>
        %dma_wait3A_35 = tpu.memref_squeeze %dma_wait3A_34 : memref<1x128xi32, #tpu.memory_space<vmem>> -> memref<128xi32, #tpu.memory_space<vmem>>
        %dma_wait3A_36 = arith.constant 0 : i32
        %dma_wait3A_37 = arith.constant 0 : i32
        %dma_wait3A_38 = tpu.memref_slice %arg12[%dma_wait3A_36, %dma_wait3A_37] : memref<10240x128xf32, #tpu.memory_space<vmem_shared>> -> memref<10240x128xf32, #tpu.memory_space<vmem_shared>>
        tpu.wait_indirect_dma semaphore(%run_scoped3A : memref<!tpu.dma_semaphore, #tpu.memory_space<semaphore_mem>>) src(%arg10 : memref<128x128xf32, #tpu.memory_space<vmem>>) dst(%dma_wait3A_38 : memref<10240x128xf32, #tpu.memory_space<vmem_shared>>)
        tpu.yield
      }) : () -> ()
    }
    %scan3A_7 = arith.constant 80 : i32
    %barrier3A_8 = arith.constant 0 : index
    tpu.barrier barrier_id(%barrier3A_8)
    %eq3A = arith.constant 0 : i32
    %eq3A_9 = arith.cmpi eq, %arg0, %eq3A : i32
    %convert_element_type3A = arith.extui %eq3A_9 : i1 to i32
    %cond3A = arith.constant 0 : i32
    %cond3A_10 = arith.cmpi ne, %convert_element_type3A, %cond3A : i32
    scf.if %cond3A_10 {
      "tpu.region"() ({
        %run_scoped3A = tpu.sem_alloc : memref<!tpu.dma_semaphore, #tpu.memory_space<semaphore_mem>>
        %dma_start3A = arith.constant 0 : i32
        %dma_start3A_16 = tpu.memref_slice %arg6[%mul3A_2, %dma_start3A] : memref<10240x128xf32, #tpu.memory_space<hbm>> -> memref<640x128xf32, #tpu.memory_space<hbm>>
        %dma_start3A_17 = arith.constant 0 : i32
        %dma_start3A_18 = tpu.memref_slice %arg12[%mul3A_2, %dma_start3A_17] : memref<10240x128xf32, #tpu.memory_space<vmem_shared>> -> memref<640x128xf32, #tpu.memory_space<vmem_shared>>
        tpu.enqueue_dma source(%dma_start3A_18 : memref<640x128xf32, #tpu.memory_space<vmem_shared>>) target(%dma_start3A_16 : memref<640x128xf32, #tpu.memory_space<hbm>>) target_semaphore(%run_scoped3A : memref<!tpu.dma_semaphore, #tpu.memory_space<semaphore_mem>>)
        %dma_wait3A = arith.constant 0 : i32
        %dma_wait3A_19 = tpu.memref_slice %arg6[%mul3A_2, %dma_wait3A] : memref<10240x128xf32, #tpu.memory_space<hbm>> -> memref<640x128xf32, #tpu.memory_space<hbm>>
        %dma_wait3A_20 = arith.constant 0 : i32
        %dma_wait3A_21 = tpu.memref_slice %arg12[%mul3A_2, %dma_wait3A_20] : memref<10240x128xf32, #tpu.memory_space<vmem_shared>> -> memref<640x128xf32, #tpu.memory_space<vmem_shared>>
        tpu.wait_dma2 semaphore(%run_scoped3A : memref<!tpu.dma_semaphore, #tpu.memory_space<semaphore_mem>>) src(%dma_wait3A_21 : memref<640x128xf32, #tpu.memory_space<vmem_shared>>) dst(%dma_wait3A_19 : memref<640x128xf32, #tpu.memory_space<hbm>>)
        tpu.yield
      }) : () -> ()
    } else {
    }
    %eq3A_11 = arith.constant 1 : i32
    %eq3A_12 = arith.cmpi eq, %arg0, %eq3A_11 : i32
    %convert_element_type3A_13 = arith.extui %eq3A_12 : i1 to i32
    %cond3A_14 = arith.constant 0 : i32
    %cond3A_15 = arith.cmpi ne, %convert_element_type3A_13, %cond3A_14 : i32
    scf.if %cond3A_15 {
      "tpu.region"() ({
        %run_scoped3A = tpu.sem_alloc : memref<!tpu.dma_semaphore, #tpu.memory_space<semaphore_mem>>
        %dma_start3A = arith.constant 0 : i32
        %dma_start3A_16 = tpu.memref_slice %arg7[%mul3A_2, %dma_start3A] : memref<10240x128xf32, #tpu.memory_space<hbm>> -> memref<640x128xf32, #tpu.memory_space<hbm>>
        %dma_start3A_17 = arith.constant 0 : i32
        %dma_start3A_18 = tpu.memref_slice %arg12[%mul3A_2, %dma_start3A_17] : memref<10240x128xf32, #tpu.memory_space<vmem_shared>> -> memref<640x128xf32, #tpu.memory_space<vmem_shared>>
        tpu.enqueue_dma source(%dma_start3A_18 : memref<640x128xf32, #tpu.memory_space<vmem_shared>>) target(%dma_start3A_16 : memref<640x128xf32, #tpu.memory_space<hbm>>) target_semaphore(%run_scoped3A : memref<!tpu.dma_semaphore, #tpu.memory_space<semaphore_mem>>)
        %dma_wait3A = arith.constant 0 : i32
        %dma_wait3A_19 = tpu.memref_slice %arg7[%mul3A_2, %dma_wait3A] : memref<10240x128xf32, #tpu.memory_space<hbm>> -> memref<640x128xf32, #tpu.memory_space<hbm>>
        %dma_wait3A_20 = arith.constant 0 : i32
        %dma_wait3A_21 = tpu.memref_slice %arg12[%mul3A_2, %dma_wait3A_20] : memref<10240x128xf32, #tpu.memory_space<vmem_shared>> -> memref<640x128xf32, #tpu.memory_space<vmem_shared>>
        tpu.wait_dma2 semaphore(%run_scoped3A : memref<!tpu.dma_semaphore, #tpu.memory_space<semaphore_mem>>) src(%dma_wait3A_21 : memref<640x128xf32, #tpu.memory_space<vmem_shared>>) dst(%dma_wait3A_19 : memref<640x128xf32, #tpu.memory_space<hbm>>)
        tpu.yield
      }) : () -> ()
    } else {
    }
    return
  }
}

module attributes {stable_mosaic.version = 14 : i64} {
  func.func @_l1_body(%arg0: i32, %arg1: memref<1000x128xf32, #tpu.memory_space<vmem>>, %arg2: memref<128x128xf32, #tpu.memory_space<vmem>>, %arg3: memref<1000x1xf32, #tpu.memory_space<vmem>>, %arg4: memref<1000x1xf32, #tpu.memory_space<vmem>>, %arg5: memref<1000x128xf32, #tpu.memory_space<vmem>>, %arg6: memref<1000x1xf32, #tpu.memory_space<vmem>>) attributes {dimension_semantics = [#tpu.dimension_semantics<arbitrary>], iteration_bounds = array<i64: 10>, scalar_prefetch = 0 : i64, scratch_operands = 0 : i64, tpu.core_type = #tpu.core_type<tc>, window_params = [{transform_indices = @transform_0, window_bounds = array<i64: 1000, 128>}, {pipeline_mode = #tpu.pipeline_mode<synchronous>, transform_indices = @transform_1, window_bounds = array<i64: 128, 128>}, {transform_indices = @transform_2, window_bounds = array<i64: 1000, 1>}, {transform_indices = @transform_3, window_bounds = array<i64: 1000, 1>}, {transform_indices = @transform_4, window_bounds = array<i64: 1000, 128>}, {transform_indices = @transform_5, window_bounds = array<i64: 1000, 1>}]} {
    %get3A = arith.constant 0 : index
    %get3A_0 = arith.constant 0 : index
    %get3A_1 = vector.load %arg3[%get3A, %get3A_0] : memref<1000x1xf32, #tpu.memory_space<vmem>>, vector<1000x1xf32>
    %get3A_2 = arith.constant 0 : index
    %get3A_3 = arith.constant 0 : index
    %get3A_4 = vector.load %arg4[%get3A_2, %get3A_3] : memref<1000x1xf32, #tpu.memory_space<vmem>>, vector<1000x1xf32>
    %add3A = arith.addf %get3A_1, %get3A_4 : vector<1000x1xf32>
    %add3A_5 = arith.constant 1.000000e+00 : f32
    %add3A_6 = vector.broadcast %add3A_5 : f32 to vector<1000x1xf32>
    %add3A_7 = arith.addf %add3A, %add3A_6 : vector<1000x1xf32>
    %rsqrt3A = math.rsqrt %add3A_7 : vector<1000x1xf32>
    %get3A_8 = arith.constant 0 : index
    %get3A_9 = arith.constant 0 : index
    %get3A_10 = vector.load %arg1[%get3A_8, %get3A_9] : memref<1000x128xf32, #tpu.memory_space<vmem>>, vector<1000x128xf32>
    %get3A_11 = arith.constant 0 : index
    %get3A_12 = arith.constant 0 : index
    %get3A_13 = vector.load %arg2[%get3A_11, %get3A_12] : memref<128x128xf32, #tpu.memory_space<vmem>>, vector<128x128xf32>
    %dot_general3A = arith.constant dense<0.000000e+00> : vector<1000x128xf32>
    %dot_general3A_14 = tpu.matmul %get3A_10, %get3A_13, %dot_general3A {dimension_numbers = #tpu.dot_dimension_numbers<[1], [0], [0], [1], [0, 0, 1, 1], [], []>, transpose_lhs_hint = false} : vector<1000x128xf32>, vector<128x128xf32>, vector<1000x128xf32> -> vector<1000x128xf32>
    %mul3A = vector.broadcast %rsqrt3A : vector<1000x1xf32> to vector<1000x128xf32>
    %mul3A_15 = arith.mulf %dot_general3A_14, %mul3A : vector<1000x128xf32>
    %swap3A = arith.constant 0 : index
    %swap3A_16 = arith.constant 0 : index
    %swap3A_17 = vector.load %arg5[%swap3A, %swap3A_16] : memref<1000x128xf32, #tpu.memory_space<vmem>>, vector<1000x128xf32>
    tpu.vector_store %arg5[%swap3A, %swap3A_16], %mul3A_15 {strides = array<i32>} : memref<1000x128xf32, #tpu.memory_space<vmem>>, vector<1000x128xf32>,
    %swap3A_18 = arith.constant 0 : index
    %swap3A_19 = arith.constant 0 : index
    %swap3A_20 = vector.load %arg6[%swap3A_18, %swap3A_19] : memref<1000x1xf32, #tpu.memory_space<vmem>>, vector<1000x1xf32>
    tpu.vector_store %arg6[%swap3A_18, %swap3A_19], %rsqrt3A {strides = array<i32>} : memref<1000x1xf32, #tpu.memory_space<vmem>>, vector<1000x1xf32>,
    return
  }
  func.func @transform_0(%arg0: i32) -> (i32, i32) {
    %c0_i32 = arith.constant 0 : i32
    %c0_i32_0 = arith.constant 0 : i32
    return %arg0, %c0_i32 : i32, i32
  }
  func.func @transform_1(%arg0: i32) -> (i32, i32) {
    %c0_i32 = arith.constant 0 : i32
    %c0_i32_0 = arith.constant 0 : i32
    %c0_i32_1 = arith.constant 0 : i32
    return %c0_i32, %c0_i32_0 : i32, i32
  }
  func.func @transform_2(%arg0: i32) -> (i32, i32) {
    %c0_i32 = arith.constant 0 : i32
    %c0_i32_0 = arith.constant 0 : i32
    return %arg0, %c0_i32 : i32, i32
  }
  func.func @transform_3(%arg0: i32) -> (i32, i32) {
    %c0_i32 = arith.constant 0 : i32
    %c0_i32_0 = arith.constant 0 : i32
    return %arg0, %c0_i32 : i32, i32
  }
  func.func @transform_4(%arg0: i32) -> (i32, i32) {
    %c0_i32 = arith.constant 0 : i32
    %c0_i32_0 = arith.constant 0 : i32
    return %arg0, %c0_i32 : i32, i32
  }
  func.func @transform_5(%arg0: i32) -> (i32, i32) {
    %c0_i32 = arith.constant 0 : i32
    %c0_i32_0 = arith.constant 0 : i32
    return %arg0, %c0_i32 : i32, i32
  }
}

module attributes {stable_mosaic.version = 14 : i64} {
  func.func @_mid_body(%arg0: i32, %arg1: memref<1000x128xf32, #tpu.memory_space<vmem>>, %arg2: memref<1000x128xf32, #tpu.memory_space<vmem>>, %arg3: memref<1000x128xf32, #tpu.memory_space<vmem>>, %arg4: memref<1000x1xf32, #tpu.memory_space<vmem>>, %arg5: memref<1x128xf32, #tpu.memory_space<vmem>>, %arg6: memref<128x128xf32, #tpu.memory_space<vmem>>, %arg7: memref<1000x128xf32, #tpu.memory_space<vmem>>) attributes {dimension_semantics = [#tpu.dimension_semantics<arbitrary>], iteration_bounds = array<i64: 10>, scalar_prefetch = 0 : i64, scratch_operands = 0 : i64, tpu.core_type = #tpu.core_type<tc>, window_params = [{transform_indices = @transform_0, window_bounds = array<i64: 1000, 128>}, {transform_indices = @transform_1, window_bounds = array<i64: 1000, 128>}, {transform_indices = @transform_2, window_bounds = array<i64: 1000, 128>}, {transform_indices = @transform_3, window_bounds = array<i64: 1000, 1>}, {pipeline_mode = #tpu.pipeline_mode<synchronous>, transform_indices = @transform_4, window_bounds = array<i64: 1, 128>}, {pipeline_mode = #tpu.pipeline_mode<synchronous>, transform_indices = @transform_5, window_bounds = array<i64: 128, 128>}, {transform_indices = @transform_6, window_bounds = array<i64: 1000, 128>}]} {
    %get3A = arith.constant 0 : index
    %get3A_0 = arith.constant 0 : index
    %get3A_1 = vector.load %arg4[%get3A, %get3A_0] : memref<1000x1xf32, #tpu.memory_space<vmem>>, vector<1000x1xf32>
    %get3A_2 = arith.constant 0 : index
    %get3A_3 = arith.constant 0 : index
    %get3A_4 = vector.load %arg1[%get3A_2, %get3A_3] : memref<1000x128xf32, #tpu.memory_space<vmem>>, vector<1000x128xf32>
    %get3A_5 = arith.constant 0 : index
    %get3A_6 = arith.constant 0 : index
    %get3A_7 = vector.load %arg2[%get3A_5, %get3A_6] : memref<1000x128xf32, #tpu.memory_space<vmem>>, vector<1000x128xf32>
    %add3A = arith.addf %get3A_4, %get3A_7 : vector<1000x128xf32>
    %get3A_8 = arith.constant 0 : index
    %get3A_9 = arith.constant 0 : index
    %get3A_10 = vector.load %arg3[%get3A_8, %get3A_9] : memref<1000x128xf32, #tpu.memory_space<vmem>>, vector<1000x128xf32>
    %add3A_11 = arith.addf %add3A, %get3A_10 : vector<1000x128xf32>
    %mul3A = vector.broadcast %get3A_1 : vector<1000x1xf32> to vector<1000x128xf32>
    %mul3A_12 = arith.mulf %mul3A, %add3A_11 : vector<1000x128xf32>
    %get3A_13 = arith.constant 0 : index
    %get3A_14 = arith.constant 0 : index
    %get3A_15 = vector.load %arg5[%get3A_13, %get3A_14] : memref<1x128xf32, #tpu.memory_space<vmem>>, vector<1x128xf32>
    %add3A_16 = vector.broadcast %get3A_15 : vector<1x128xf32> to vector<1000x128xf32>
    %add3A_17 = arith.addf %mul3A_12, %add3A_16 : vector<1000x128xf32>
    %max3A = arith.constant 0.000000e+00 : f32
    %max3A_18 = vector.broadcast %max3A : f32 to vector<1000x128xf32>
    %max3A_19 = arith.maximumf %add3A_17, %max3A_18 : vector<1000x128xf32>
    %get3A_20 = arith.constant 0 : index
    %get3A_21 = arith.constant 0 : index
    %get3A_22 = vector.load %arg6[%get3A_20, %get3A_21] : memref<128x128xf32, #tpu.memory_space<vmem>>, vector<128x128xf32>
    %dot_general3A = arith.constant dense<0.000000e+00> : vector<1000x128xf32>
    %dot_general3A_23 = tpu.matmul %max3A_19, %get3A_22, %dot_general3A {dimension_numbers = #tpu.dot_dimension_numbers<[1], [0], [0], [1], [0, 0, 1, 1], [], []>, transpose_lhs_hint = false} : vector<1000x128xf32>, vector<128x128xf32>, vector<1000x128xf32> -> vector<1000x128xf32>
    %mul3A_24 = vector.broadcast %get3A_1 : vector<1000x1xf32> to vector<1000x128xf32>
    %mul3A_25 = arith.mulf %dot_general3A_23, %mul3A_24 : vector<1000x128xf32>
    %swap3A = arith.constant 0 : index
    %swap3A_26 = arith.constant 0 : index
    %swap3A_27 = vector.load %arg7[%swap3A, %swap3A_26] : memref<1000x128xf32, #tpu.memory_space<vmem>>, vector<1000x128xf32>
    tpu.vector_store %arg7[%swap3A, %swap3A_26], %mul3A_25 {strides = array<i32>} : memref<1000x128xf32, #tpu.memory_space<vmem>>, vector<1000x128xf32>,
    return
  }
  func.func @transform_0(%arg0: i32) -> (i32, i32) {
    %c0_i32 = arith.constant 0 : i32
    %c0_i32_0 = arith.constant 0 : i32
    return %arg0, %c0_i32 : i32, i32
  }
  func.func @transform_1(%arg0: i32) -> (i32, i32) {
    %c0_i32 = arith.constant 0 : i32
    %c0_i32_0 = arith.constant 0 : i32
    return %arg0, %c0_i32 : i32, i32
  }
  func.func @transform_2(%arg0: i32) -> (i32, i32) {
    %c0_i32 = arith.constant 0 : i32
    %c0_i32_0 = arith.constant 0 : i32
    return %arg0, %c0_i32 : i32, i32
  }
  func.func @transform_3(%arg0: i32) -> (i32, i32) {
    %c0_i32 = arith.constant 0 : i32
    %c0_i32_0 = arith.constant 0 : i32
    return %arg0, %c0_i32 : i32, i32
  }
  func.func @transform_4(%arg0: i32) -> (i32, i32) {
    %c0_i32 = arith.constant 0 : i32
    %c0_i32_0 = arith.constant 0 : i32
    %c0_i32_1 = arith.constant 0 : i32
    return %c0_i32, %c0_i32_0 : i32, i32
  }
  func.func @transform_5(%arg0: i32) -> (i32, i32) {
    %c0_i32 = arith.constant 0 : i32
    %c0_i32_0 = arith.constant 0 : i32
    %c0_i32_1 = arith.constant 0 : i32
    return %c0_i32, %c0_i32_0 : i32, i32
  }
  func.func @transform_6(%arg0: i32) -> (i32, i32) {
    %c0_i32 = arith.constant 0 : i32
    %c0_i32_0 = arith.constant 0 : i32
    return %arg0, %c0_i32 : i32, i32
  }
}

module attributes {stable_mosaic.version = 14 : i64} {
  func.func @_norm_body(%arg0: i32, %arg1: memref<1000x128xf32, #tpu.memory_space<vmem>>, %arg2: memref<1000x128xf32, #tpu.memory_space<vmem>>, %arg3: memref<1000x128xf32, #tpu.memory_space<vmem>>, %arg4: memref<1000x1xf32, #tpu.memory_space<vmem>>, %arg5: memref<1x128xf32, #tpu.memory_space<vmem>>, %arg6: memref<1000x128xf32, #tpu.memory_space<vmem>>) attributes {dimension_semantics = [#tpu.dimension_semantics<arbitrary>], iteration_bounds = array<i64: 10>, scalar_prefetch = 0 : i64, scratch_operands = 0 : i64, tpu.core_type = #tpu.core_type<tc>, window_params = [{transform_indices = @transform_0, window_bounds = array<i64: 1000, 128>}, {transform_indices = @transform_1, window_bounds = array<i64: 1000, 128>}, {transform_indices = @transform_2, window_bounds = array<i64: 1000, 128>}, {transform_indices = @transform_3, window_bounds = array<i64: 1000, 1>}, {pipeline_mode = #tpu.pipeline_mode<synchronous>, transform_indices = @transform_4, window_bounds = array<i64: 1, 128>}, {transform_indices = @transform_5, window_bounds = array<i64: 1000, 128>}]} {
    %get3A = arith.constant 0 : index
    %get3A_0 = arith.constant 0 : index
    %get3A_1 = vector.load %arg4[%get3A, %get3A_0] : memref<1000x1xf32, #tpu.memory_space<vmem>>, vector<1000x1xf32>
    %get3A_2 = arith.constant 0 : index
    %get3A_3 = arith.constant 0 : index
    %get3A_4 = vector.load %arg1[%get3A_2, %get3A_3] : memref<1000x128xf32, #tpu.memory_space<vmem>>, vector<1000x128xf32>
    %get3A_5 = arith.constant 0 : index
    %get3A_6 = arith.constant 0 : index
    %get3A_7 = vector.load %arg2[%get3A_5, %get3A_6] : memref<1000x128xf32, #tpu.memory_space<vmem>>, vector<1000x128xf32>
    %add3A = arith.addf %get3A_4, %get3A_7 : vector<1000x128xf32>
    %get3A_8 = arith.constant 0 : index
    %get3A_9 = arith.constant 0 : index
    %get3A_10 = vector.load %arg3[%get3A_8, %get3A_9] : memref<1000x128xf32, #tpu.memory_space<vmem>>, vector<1000x128xf32>
    %add3A_11 = arith.addf %add3A, %get3A_10 : vector<1000x128xf32>
    %mul3A = vector.broadcast %get3A_1 : vector<1000x1xf32> to vector<1000x128xf32>
    %mul3A_12 = arith.mulf %mul3A, %add3A_11 : vector<1000x128xf32>
    %get3A_13 = arith.constant 0 : index
    %get3A_14 = arith.constant 0 : index
    %get3A_15 = vector.load %arg5[%get3A_13, %get3A_14] : memref<1x128xf32, #tpu.memory_space<vmem>>, vector<1x128xf32>
    %add3A_16 = vector.broadcast %get3A_15 : vector<1x128xf32> to vector<1000x128xf32>
    %add3A_17 = arith.addf %mul3A_12, %add3A_16 : vector<1000x128xf32>
    %mul3A_18 = arith.mulf %add3A_17, %add3A_17 : vector<1000x128xf32>
    %reduce_sum3A = arith.constant dense<0.000000e+00> : vector<1000xf32>
    %reduce_sum3A_19 = vector.multi_reduction <add>, %mul3A_18, %reduce_sum3A [1] : vector<1000x128xf32> to vector<1000xf32>
    %broadcast_in_dim3A = vector.shape_cast %reduce_sum3A_19 : vector<1000xf32> to vector<1000x1xf32>
    %sqrt3A = math.sqrt %broadcast_in_dim3A : vector<1000x1xf32>
    %div3A = vector.broadcast %sqrt3A : vector<1000x1xf32> to vector<1000x128xf32>
    %div3A_20 = arith.divf %add3A_17, %div3A : vector<1000x128xf32>
    %swap3A = arith.constant 0 : index
    %swap3A_21 = arith.constant 0 : index
    %swap3A_22 = vector.load %arg6[%swap3A, %swap3A_21] : memref<1000x128xf32, #tpu.memory_space<vmem>>, vector<1000x128xf32>
    tpu.vector_store %arg6[%swap3A, %swap3A_21], %div3A_20 {strides = array<i32>} : memref<1000x128xf32, #tpu.memory_space<vmem>>, vector<1000x128xf32>,
    return
  }
  func.func @transform_0(%arg0: i32) -> (i32, i32) {
    %c0_i32 = arith.constant 0 : i32
    %c0_i32_0 = arith.constant 0 : i32
    return %arg0, %c0_i32 : i32, i32
  }
  func.func @transform_1(%arg0: i32) -> (i32, i32) {
    %c0_i32 = arith.constant 0 : i32
    %c0_i32_0 = arith.constant 0 : i32
    return %arg0, %c0_i32 : i32, i32
  }
  func.func @transform_2(%arg0: i32) -> (i32, i32) {
    %c0_i32 = arith.constant 0 : i32
    %c0_i32_0 = arith.constant 0 : i32
    return %arg0, %c0_i32 : i32, i32
  }
  func.func @transform_3(%arg0: i32) -> (i32, i32) {
    %c0_i32 = arith.constant 0 : i32
    %c0_i32_0 = arith.constant 0 : i32
    return %arg0, %c0_i32 : i32, i32
  }
  func.func @transform_4(%arg0: i32) -> (i32, i32) {
    %c0_i32 = arith.constant 0 : i32
    %c0_i32_0 = arith.constant 0 : i32
    %c0_i32_1 = arith.constant 0 : i32
    return %c0_i32, %c0_i32_0 : i32, i32
  }
  func.func @transform_5(%arg0: i32) -> (i32, i32) {
    %c0_i32 = arith.constant 0 : i32
    %c0_i32_0 = arith.constant 0 : i32
    return %arg0, %c0_i32 : i32, i32
  }
}

module attributes {stable_mosaic.version = 14 : i64} {
  func.func @_proto_body(%arg0: memref<10000x128xf32, #tpu.memory_space<vmem>>, %arg1: memref<64xi32, #tpu.memory_space<smem>>, %arg2: memref<128x128xf32, #tpu.memory_space<vmem>>, %arg3: memref<1x128xf32, #tpu.memory_space<vmem>>, %arg4: memref<128x32xf32, #tpu.memory_space<vmem>>, %arg5: memref<1x32xf32, #tpu.memory_space<vmem>>, %arg6: memref<64x128xf32, #tpu.memory_space<vmem>>, %arg7: memref<64x32xf32, #tpu.memory_space<vmem>>, %arg8: memref<64x128xf32, #tpu.memory_space<vmem>>) attributes {dimension_semantics = [], scalar_prefetch = 0 : i64, scratch_operands = 1 : i64, tpu.core_type = #tpu.core_type<tc>} {
    %scan3A = arith.constant 0 : i32
    %scan3A_0 = arith.constant 64 : i32
    %scan3A_1 = arith.addi %scan3A, %scan3A_0 : i32
    %scan3A_2 = arith.constant 1 : i32
    scf.for %scan3A_44 = %scan3A to %scan3A_1 step %scan3A_2  : i32 {
      %get3A_45 = arith.index_cast %scan3A_44 : i32 to index
      %get3A_46 = memref.load %arg1[%get3A_45] : memref<64xi32, #tpu.memory_space<smem>>
      %get3A_47 = arith.index_cast %get3A_46 : i32 to index
      %get3A_48 = arith.constant 0 : index
      %get3A_49 = vector.load %arg0[%get3A_47, %get3A_48] : memref<10000x128xf32, #tpu.memory_space<vmem>>, vector<1x128xf32>
      %swap3A_50 = arith.index_cast %scan3A_44 : i32 to index
      %swap3A_51 = arith.constant 0 : index
      %swap3A_52 = vector.load %arg8[%swap3A_50, %swap3A_51] : memref<64x128xf32, #tpu.memory_space<vmem>>, vector<1x128xf32>
      tpu.vector_store %arg8[%swap3A_50, %swap3A_51], %get3A_49 {strides = array<i32>} : memref<64x128xf32, #tpu.memory_space<vmem>>, vector<1x128xf32>,
    }
    %scan3A_3 = arith.constant 64 : i32
    %get3A = arith.constant 0 : index
    %get3A_4 = arith.constant 0 : index
    %get3A_5 = vector.load %arg8[%get3A, %get3A_4] : memref<64x128xf32, #tpu.memory_space<vmem>>, vector<64x128xf32>
    %mul3A = arith.mulf %get3A_5, %get3A_5 : vector<64x128xf32>
    %reduce_sum3A = arith.constant dense<0.000000e+00> : vector<64xf32>
    %reduce_sum3A_6 = vector.multi_reduction <add>, %mul3A, %reduce_sum3A [1] : vector<64x128xf32> to vector<64xf32>
    %broadcast_in_dim3A = vector.shape_cast %reduce_sum3A_6 : vector<64xf32> to vector<64x1xf32>
    %sqrt3A = math.sqrt %broadcast_in_dim3A : vector<64x1xf32>
    %max3A = arith.constant 9.99999997E-7 : f32
    %max3A_7 = vector.broadcast %max3A : f32 to vector<64x1xf32>
    %max3A_8 = arith.maximumf %sqrt3A, %max3A_7 : vector<64x1xf32>
    %div3A = vector.broadcast %max3A_8 : vector<64x1xf32> to vector<64x128xf32>
    %div3A_9 = arith.divf %get3A_5, %div3A : vector<64x128xf32>
    %swap3A = arith.constant 0 : index
    %swap3A_10 = arith.constant 0 : index
    %swap3A_11 = vector.load %arg6[%swap3A, %swap3A_10] : memref<64x128xf32, #tpu.memory_space<vmem>>, vector<64x128xf32>
    tpu.vector_store %arg6[%swap3A, %swap3A_10], %div3A_9 {strides = array<i32>} : memref<64x128xf32, #tpu.memory_space<vmem>>, vector<64x128xf32>,
    %get3A_12 = arith.constant 0 : index
    %get3A_13 = arith.constant 0 : index
    %get3A_14 = vector.load %arg2[%get3A_12, %get3A_13] : memref<128x128xf32, #tpu.memory_space<vmem>>, vector<128x128xf32>
    %dot_general3A = arith.constant dense<0.000000e+00> : vector<64x128xf32>
    %dot_general3A_15 = tpu.matmul %get3A_5, %get3A_14, %dot_general3A {dimension_numbers = #tpu.dot_dimension_numbers<[1], [0], [0], [1], [0, 0, 1, 1], [], []>, transpose_lhs_hint = false} : vector<64x128xf32>, vector<128x128xf32>, vector<64x128xf32> -> vector<64x128xf32>
    %get3A_16 = arith.constant 0 : index
    %get3A_17 = arith.constant 0 : index
    %get3A_18 = vector.load %arg3[%get3A_16, %get3A_17] : memref<1x128xf32, #tpu.memory_space<vmem>>, vector<1x128xf32>
    %add3A = vector.broadcast %get3A_18 : vector<1x128xf32> to vector<64x128xf32>
    %add3A_19 = arith.addf %dot_general3A_15, %add3A : vector<64x128xf32>
    %max3A_20 = arith.constant 0.000000e+00 : f32
    %max3A_21 = vector.broadcast %max3A_20 : f32 to vector<64x128xf32>
    %max3A_22 = arith.maximumf %add3A_19, %max3A_21 : vector<64x128xf32>
    %get3A_23 = arith.constant 0 : index
    %get3A_24 = arith.constant 0 : index
    %get3A_25 = vector.load %arg4[%get3A_23, %get3A_24] : memref<128x32xf32, #tpu.memory_space<vmem>>, vector<128x32xf32>
    %dot_general3A_26 = arith.constant dense<0.000000e+00> : vector<64x32xf32>
    %dot_general3A_27 = tpu.matmul %max3A_22, %get3A_25, %dot_general3A_26 {dimension_numbers = #tpu.dot_dimension_numbers<[1], [0], [0], [1], [0, 0, 1, 1], [], []>, transpose_lhs_hint = false} : vector<64x128xf32>, vector<128x32xf32>, vector<64x32xf32> -> vector<64x32xf32>
    %get3A_28 = arith.constant 0 : index
    %get3A_29 = arith.constant 0 : index
    %get3A_30 = vector.load %arg5[%get3A_28, %get3A_29] : memref<1x32xf32, #tpu.memory_space<vmem>>, vector<1x32xf32>
    %add3A_31 = vector.broadcast %get3A_30 : vector<1x32xf32> to vector<64x32xf32>
    %add3A_32 = arith.addf %dot_general3A_27, %add3A_31 : vector<64x32xf32>
    %reduce_max3A = arith.constant dense<0xFF800000> : vector<64xf32>
    %reduce_max3A_33 = vector.multi_reduction <maximumf>, %add3A_32, %reduce_max3A [1] : vector<64x32xf32> to vector<64xf32>
    %broadcast_in_dim3A_34 = vector.shape_cast %reduce_max3A_33 : vector<64xf32> to vector<64x1xf32>
    %sub3A = vector.broadcast %broadcast_in_dim3A_34 : vector<64x1xf32> to vector<64x32xf32>
    %sub3A_35 = arith.subf %add3A_32, %sub3A : vector<64x32xf32>
    %exp3A = math.exp %sub3A_35 : vector<64x32xf32>
    %reduce_sum3A_36 = arith.constant dense<0.000000e+00> : vector<64xf32>
    %reduce_sum3A_37 = vector.multi_reduction <add>, %exp3A, %reduce_sum3A_36 [1] : vector<64x32xf32> to vector<64xf32>
    %broadcast_in_dim3A_38 = vector.shape_cast %reduce_sum3A_37 : vector<64xf32> to vector<64x1xf32>
    %log3A = math.log %broadcast_in_dim3A_38 : vector<64x1xf32>
    %sub3A_39 = vector.broadcast %log3A : vector<64x1xf32> to vector<64x32xf32>
    %sub3A_40 = arith.subf %sub3A_35, %sub3A_39 : vector<64x32xf32>
    %swap3A_41 = arith.constant 0 : index
    %swap3A_42 = arith.constant 0 : index
    %swap3A_43 = vector.load %arg7[%swap3A_41, %swap3A_42] : memref<64x32xf32, #tpu.memory_space<vmem>>, vector<64x32xf32>
    tpu.vector_store %arg7[%swap3A_41, %swap3A_42], %sub3A_40 {strides = array<i32>} : memref<64x32xf32, #tpu.memory_space<vmem>>, vector<64x32xf32>,
    return
  }
}

module attributes {stable_mosaic.version = 14 : i64} {
  func.func @_head_body(%arg0: i32, %arg1: memref<1000x128xf32, #tpu.memory_space<vmem>>, %arg2: memref<64x128xf32, #tpu.memory_space<vmem>>, %arg3: memref<64x32xf32, #tpu.memory_space<vmem>>, %arg4: memref<1000x32xf32, #tpu.memory_space<vmem>>, %arg5: memref<1000x64xf32, #tpu.memory_space<vmem>>) attributes {dimension_semantics = [#tpu.dimension_semantics<arbitrary>], iteration_bounds = array<i64: 10>, scalar_prefetch = 0 : i64, scratch_operands = 0 : i64, tpu.core_type = #tpu.core_type<tc>, window_params = [{transform_indices = @transform_0, window_bounds = array<i64: 1000, 128>}, {pipeline_mode = #tpu.pipeline_mode<synchronous>, transform_indices = @transform_1, window_bounds = array<i64: 64, 128>}, {pipeline_mode = #tpu.pipeline_mode<synchronous>, transform_indices = @transform_2, window_bounds = array<i64: 64, 32>}, {transform_indices = @transform_3, window_bounds = array<i64: 1000, 32>}, {transform_indices = @transform_4, window_bounds = array<i64: 1000, 64>}]} {
    %get3A = arith.constant 0 : index
    %get3A_0 = arith.constant 0 : index
    %get3A_1 = vector.load %arg1[%get3A, %get3A_0] : memref<1000x128xf32, #tpu.memory_space<vmem>>, vector<1000x128xf32>
    %mul3A = arith.mulf %get3A_1, %get3A_1 : vector<1000x128xf32>
    %reduce_sum3A = arith.constant dense<0.000000e+00> : vector<1000xf32>
    %reduce_sum3A_2 = vector.multi_reduction <add>, %mul3A, %reduce_sum3A [1] : vector<1000x128xf32> to vector<1000xf32>
    %broadcast_in_dim3A = vector.shape_cast %reduce_sum3A_2 : vector<1000xf32> to vector<1000x1xf32>
    %sqrt3A = math.sqrt %broadcast_in_dim3A : vector<1000x1xf32>
    %max3A = arith.constant 9.99999997E-7 : f32
    %max3A_3 = vector.broadcast %max3A : f32 to vector<1000x1xf32>
    %max3A_4 = arith.maximumf %sqrt3A, %max3A_3 : vector<1000x1xf32>
    %div3A = vector.broadcast %max3A_4 : vector<1000x1xf32> to vector<1000x128xf32>
    %div3A_5 = arith.divf %get3A_1, %div3A : vector<1000x128xf32>
    %get3A_6 = arith.constant 0 : index
    %get3A_7 = arith.constant 0 : index
    %get3A_8 = vector.load %arg2[%get3A_6, %get3A_7] : memref<64x128xf32, #tpu.memory_space<vmem>>, vector<64x128xf32>
    %dot_general3A = arith.constant dense<0.000000e+00> : vector<1000x64xf32>
    %dot_general3A_9 = tpu.matmul %div3A_5, %get3A_8, %dot_general3A {dimension_numbers = #tpu.dot_dimension_numbers<[1], [1], [0], [0], [0, 0, 1, 0], [], []>, transpose_lhs_hint = false} : vector<1000x128xf32>, vector<64x128xf32>, vector<1000x64xf32> -> vector<1000x64xf32>
    %add3A = arith.constant 1.000000e+00 : f32
    %add3A_10 = vector.broadcast %add3A : f32 to vector<1000x64xf32>
    %add3A_11 = arith.addf %dot_general3A_9, %add3A_10 : vector<1000x64xf32>
    %mul3A_12 = arith.constant 5.000000e-01 : f32
    %mul3A_13 = vector.broadcast %mul3A_12 : f32 to vector<1000x64xf32>
    %mul3A_14 = arith.mulf %add3A_11, %mul3A_13 : vector<1000x64xf32>
    %swap3A = arith.constant 0 : index
    %swap3A_15 = arith.constant 0 : index
    %swap3A_16 = vector.load %arg5[%swap3A, %swap3A_15] : memref<1000x64xf32, #tpu.memory_space<vmem>>, vector<1000x64xf32>
    tpu.vector_store %arg5[%swap3A, %swap3A_15], %mul3A_14 {strides = array<i32>} : memref<1000x64xf32, #tpu.memory_space<vmem>>, vector<1000x64xf32>,
    %get3A_17 = arith.constant 0 : index
    %get3A_18 = arith.constant 0 : index
    %get3A_19 = vector.load %arg3[%get3A_17, %get3A_18] : memref<64x32xf32, #tpu.memory_space<vmem>>, vector<64x32xf32>
    %dot_general3A_20 = arith.constant dense<0.000000e+00> : vector<1000x32xf32>
    %dot_general3A_21 = tpu.matmul %mul3A_14, %get3A_19, %dot_general3A_20 {dimension_numbers = #tpu.dot_dimension_numbers<[1], [0], [0], [1], [0, 0, 1, 1], [], []>, transpose_lhs_hint = false} : vector<1000x64xf32>, vector<64x32xf32>, vector<1000x32xf32> -> vector<1000x32xf32>
    %reduce_max3A = arith.constant dense<0xFF800000> : vector<1000xf32>
    %reduce_max3A_22 = vector.multi_reduction <maximumf>, %dot_general3A_21, %reduce_max3A [1] : vector<1000x32xf32> to vector<1000xf32>
    %broadcast_in_dim3A_23 = vector.shape_cast %reduce_max3A_22 : vector<1000xf32> to vector<1000x1xf32>
    %sub3A = vector.broadcast %broadcast_in_dim3A_23 : vector<1000x1xf32> to vector<1000x32xf32>
    %sub3A_24 = arith.subf %dot_general3A_21, %sub3A : vector<1000x32xf32>
    %exp3A = math.exp %sub3A_24 : vector<1000x32xf32>
    %reduce_sum3A_25 = arith.constant dense<0.000000e+00> : vector<1000xf32>
    %reduce_sum3A_26 = vector.multi_reduction <add>, %exp3A, %reduce_sum3A_25 [1] : vector<1000x32xf32> to vector<1000xf32>
    %broadcast_in_dim3A_27 = vector.shape_cast %reduce_sum3A_26 : vector<1000xf32> to vector<1000x1xf32>
    %log3A = math.log %broadcast_in_dim3A_27 : vector<1000x1xf32>
    %sub3A_28 = vector.broadcast %log3A : vector<1000x1xf32> to vector<1000x32xf32>
    %sub3A_29 = arith.subf %sub3A_24, %sub3A_28 : vector<1000x32xf32>
    %swap3A_30 = arith.constant 0 : index
    %swap3A_31 = arith.constant 0 : index
    %swap3A_32 = vector.load %arg4[%swap3A_30, %swap3A_31] : memref<1000x32xf32, #tpu.memory_space<vmem>>, vector<1000x32xf32>
    tpu.vector_store %arg4[%swap3A_30, %swap3A_31], %sub3A_29 {strides = array<i32>} : memref<1000x32xf32, #tpu.memory_space<vmem>>, vector<1000x32xf32>,
    return
  }
  func.func @transform_0(%arg0: i32) -> (i32, i32) {
    %c0_i32 = arith.constant 0 : i32
    %c0_i32_0 = arith.constant 0 : i32
    return %arg0, %c0_i32 : i32, i32
  }
  func.func @transform_1(%arg0: i32) -> (i32, i32) {
    %c0_i32 = arith.constant 0 : i32
    %c0_i32_0 = arith.constant 0 : i32
    %c0_i32_1 = arith.constant 0 : i32
    return %c0_i32, %c0_i32_0 : i32, i32
  }
  func.func @transform_2(%arg0: i32) -> (i32, i32) {
    %c0_i32 = arith.constant 0 : i32
    %c0_i32_0 = arith.constant 0 : i32
    %c0_i32_1 = arith.constant 0 : i32
    return %c0_i32, %c0_i32_0 : i32, i32
  }
  func.func @transform_3(%arg0: i32) -> (i32, i32) {
    %c0_i32 = arith.constant 0 : i32
    %c0_i32_0 = arith.constant 0 : i32
    return %arg0, %c0_i32 : i32, i32
  }
  func.func @transform_4(%arg0: i32) -> (i32, i32) {
    %c0_i32 = arith.constant 0 : i32
    %c0_i32_0 = arith.constant 0 : i32
    return %arg0, %c0_i32 : i32, i32
  }
}

</mosaic_0001>

<sc_bundles>
// kernel: kernel.10.cloned.1.call-start
scs
__scs_entry_jumppad:
0x0: {  	(pc) =	sbr.rel $0x88, $3  }
0x1: {  	(tag) =	ssettag $0x0;
	lr =	simm.s32 $0x1  }
0x2: {  	[smem:$0x3F96] =	sst lr;
	_ =	strace $0xD0000000  }
0x3: {  	_ = 	snop  }
0x4: {  	_ = 	snop  }
0x5: {  	_ = 	snop  }
0x6: {  	_ = 	snop  }
0x7: {  	_ = 	snop  }
__scs_overlays_trampoline_lowered:
0x8: {  	[smem:$0x3FA5] =	sst s0  }
0x9: {  	[smem:$0x3FA6] =	sst s1  }
0xa: {  	[smem:$0x3FA7] =	sst s2  }
0xb: {  	[smem:$0x3FA8] =	sst s3  }
0xc: {  	[smem:$0x3FA9] =	sst s4  }
0xd: {  	[smem:$0x3FAA] =	sst s5  }
0xe: {  	[smem:$0x3FAB] =	sst s6  }
0xf: {  	[smem:$0x3FAC] =	sst s7  }
0x10: {  	[smem:$0x3FAD] =	sst s8  }
0x11: {  	[smem:$0x3FAE] =	sst s9;
	s0 =	simm.s32 @!p0 $0x0  }
0x12: {  	s1 =	sld [smem:$0x3F94];
	s0 =	simm.s32 @p0 $0x1  }
0x13: {  	[smem:$0x3FAF] =	sst s0;
	s0 =	simm.s32 @!p1 $0x0  }
0x14: {  	s2 =	sld [smem:$0x3F93];
	s0 =	simm.s32 @p1 $0x1  }
0x15: {  	[smem:$0x3FB0] =	sst s0;
	s0 =	simm.s32 @!p2 $0x0  }
0x16: {  	s3 =	sld [smem:$0x3FDB];
	s0 =	simm.s32 @p2 $0x1  }
0x17: {  	s4 =	simm.s32 $0x1BF5;
	[smem:$0x3FB2] =	sst s0  }
0x18: {  	s0 =	sld [smem:$0x3F95];
	_ =	swait.ge [sflag:s4], $0x0  }
0x19: {  	s7 =	sld [smem:$0x3F96]  }
0x1a: {  	s8 =	sadd.s32 $0xFFFFE003, lr  }
0x1b: {  	s9 =	sadd.s32 $0xFFFFFEF7, lr;
	s5 =	simm.s32 $0xFFFFFFFF;
	p2 =	slt.u32 s8, $0xFFFFF086  }
0x1c: {  	p1 =	slt.u32 s9, $0xF7A;
	s5 =	simm.s32 @!p2 $0x0  }
0x1d: {  	s5 =	simm.s32 @p1 $0x1;
	p0 =	seq.s32 s7, s2  }
0x1e: {  	s7 =	smul.u32 @!p0 $0xF7A, s2;
	p2 =	seq.s32 @!p0 s5, $0x0  }
0x1f: {  	s9 =	smul.u32 $0xF7A, s1;
	s8 =	simm.s32 @!p0 $0x1BF5;
	p2 =	por !p2, p0  }
0x20: {  	[sflag:s8] =	ssyncset.s32 @!p0 $0xFFFFF086;
	s6 =	sadd.s32 @!p0 s3, s7;
	s7 =	simm.s32 @!p0 $0x108  }
0x21: {  	s3 =	sadd.s32 s3, s9;
	s6 =	sadd.s32 @!p0 $0x88, s6;
	s7 =	simm.s32 @p2 $0x1082  }
0x22: {  	[simem:s7], [sflag:s8] =	dma.local @!p0 [hbm:s6], $0xF7A  }
0x23: {  	s9 =	sor.u32 $0xD0000000, s2;
	s6 =	simm.s32 $0x108;
	_ =	swait.ge @!p0 [sflag:s8], $0x0  }
0x24: {  	s3 =	sadd.s32 $0x88, s3;
	s6 =	simm.s32 @!p1 $0x1082;
	[sflag:s4] =	ssyncset.s32 $0xFFFFF086  }
0x25: {  	[simem:s6], [sflag:s4] =	dma.local [hbm:s3], $0xF7A  }
0x26: {  	[smem:$0x3F96] =	sst s1;
	(tag) =	ssettag s2;
	_ =	strace s9  }
0x27: {  	s1 =	sld [smem:$0x3FA6]  }
0x28: {  	s2 =	sld [smem:$0x3FA7]  }
0x29: {  	s4 =	sld [smem:$0x3FA9]  }
0x2a: {  	p0 =	seq.s32 s5, $0x0;
	s5 =	sld [smem:$0x3FAA]  }
0x2b: {  	s6 =	sld [smem:$0x3FAB]  }
0x2c: {  	s7 =	sld [smem:$0x3FAC]  }
0x2d: {  	s3 =	simm.s32 $0x108;
	s8 =	sld [smem:$0x3FAD]  }
0x2e: {  	s3 =	simm.s32 @!p0 $0x1082;
	s9 =	sld [smem:$0x3FAE]  }
0x2f: {  	lr =	sadd.s32 s0, s3;
	s0 =	sld [smem:$0x3FA5]  }
0x30: {  	s3 =	sld [smem:$0x3FA8]  }
0x31: {  	[smem:$0x3FB1] =	sst s10  }
0x32: {  	s10 =	sld [smem:$0x3FAF];
	_ =	sdelay $0x3  }
0x33: {  	p0 =	seq.s32 s10, $0x1;
	s10 =	sld [smem:$0x3FB1];
	_ =	sdelay $0x3  }
0x34: {  	[smem:$0x3FB1] =	sst s10  }
0x35: {  	s10 =	sld [smem:$0x3FB0];
	_ =	sdelay $0x3  }
0x36: {  	p1 =	seq.s32 s10, $0x1;
	s10 =	sld [smem:$0x3FB1];
	_ =	sdelay $0x3  }
0x37: {  	[smem:$0x3FB1] =	sst s10  }
0x38: {  	s10 =	sld [smem:$0x3FB2]  }
0x39: {  	_ = 	snop;
	(pc) =	sbr.ind lr, $3  }
0x3a: {  	_ = 	snop  }
0x3b: {  	_ = 	snop  }
0x3c: {  	p2 =	seq.s32 s10, $0x1;
	s10 =	sld [smem:$0x3FB1]  }
0x3d: {  	_ =	shalt  }
0x3e: {  	_ =	shalt  }
0x3f: {  	_ =	shalt  }
0x40: {  	_ =	shalt  }
0x41: {  	_ =	shalt  }
0x42: {  	_ =	shalt  }
0x43: {  	_ =	shalt  }
0x44: {  	_ =	shalt  }
0x45: {  	_ =	shalt  }
0x46: {  	_ =	shalt  }
0x47: {  	_ =	shalt  }
0x48: {  	_ =	shalt  }
0x49: {  	_ =	shalt  }
0x4a: {  	_ =	shalt  }
0x4b: {  	_ =	shalt  }
0x4c: {  	_ =	shalt  }
0x4d: {  	_ =	shalt  }
0x4e: {  	_ =	shalt  }
0x4f: {  	_ =	shalt  }
0x50: {  	_ =	shalt  }
0x51: {  	_ =	shalt  }
0x52: {  	_ =	shalt  }
0x53: {  	_ =	shalt  }
0x54: {  	_ =	shalt  }
0x55: {  	_ =	shalt  }
0x56: {  	_ =	shalt  }
0x57: {  	_ =	shalt  }
0x58: {  	_ =	shalt  }
0x59: {  	_ =	shalt  }
0x5a: {  	_ =	shalt  }
0x5b: {  	_ =	shalt  }
0x5c: {  	_ =	shalt  }
0x5d: {  	_ =	shalt  }
0x5e: {  	_ =	shalt  }
0x5f: {  	_ =	shalt  }
0x60: {  	_ =	shalt  }
0x61: {  	_ =	shalt  }
0x62: {  	_ =	shalt  }
0x63: {  	_ =	shalt  }
0x64: {  	_ =	shalt  }
0x65: {  	_ =	shalt  }
0x66: {  	_ =	shalt  }
0x67: {  	_ =	shalt  }
0x68: {  	_ =	shalt  }
0x69: {  	_ =	shalt  }
0x6a: {  	_ =	shalt  }
0x6b: {  	_ =	shalt  }
0x6c: {  	_ =	shalt  }
0x6d: {  	_ =	shalt  }
0x6e: {  	_ =	shalt  }
0x6f: {  	_ =	shalt  }
0x70: {  	_ =	shalt  }
0x71: {  	_ =	shalt  }
0x72: {  	_ =	shalt  }
0x73: {  	_ =	shalt  }
0x74: {  	_ =	shalt  }
0x75: {  	_ =	shalt  }
0x76: {  	_ =	shalt  }
0x77: {  	_ =	shalt  }
0x78: {  	_ =	shalt  }
0x79: {  	_ =	shalt  }
0x7a: {  	_ =	shalt  }
0x7b: {  	_ =	shalt  }
0x7c: {  	_ =	shalt  }
0x7d: {  	_ =	shalt  }
0x7e: {  	_ =	shalt  }
0x7f: {  	_ =	shalt  }
0x80: {  	_ =	shalt  }
0x81: {  	_ =	shalt  }
0x82: {  	_ =	shalt  }
0x83: {  	_ =	shalt  }
0x84: {  	_ =	shalt  }
0x85: {  	_ =	shalt  }
0x86: {  	_ =	shalt  }
0x87: {  	_ =	shalt  }
.Lfunc_end0:
.L_simem_size_0:
called_computation_lowered:
.L_overlay_start_0:
0x88: {  	s2 =	sld [smem:$0x3FD9]  }
0x89: {  	s3 =	sld [smem:$0x3FFE];
	_ =	sdelay $0x1  }
0x8a: {  	s1 =	srdreg.scid  }
0x8b: {  	s0 =	sand.u32 $0x1, s1  }
0x8c: {  	s15 =	sshll.u32 s0, $0xA;
	s2 =	sadd.s32 s3, s2  }
0x8d: {  	s2 =	sadd.s32 s2, s15  }
0x8e: {  	[smem:$0x3FBD] =	sst s2  }
0x8f: {  	_ = 	snop  }
0x90: {  	s2 =	sld [smem:$0x3FD0];
	_ =	sdelay $0x2  }
0x91: {  	s16 =	simm.s32 $0xA;
	s4 =	simm.s32 $0x10  }
0x92: {  	[smem:s4], [sflag:s16] =	dma.local [hbm:s2], $0x1  }
0x93: {  	_ =	swait.eq [sflag:s16], $0x1  }
0x94: {  	[sflag:s16] =	ssyncset.done $0x0  }
0x95: {  	s17 =	sld [smem:$0x10];
	[sflag:s16] =	ssyncadd.s32 $0xFFFFFFFF  }
0x96: {  	s18 =	sld [smem:$0x11];
	(tm) =	ssettm $0x1  }
0x97: {  	s19 =	sld [smem:$0x3FFB];
	_ =	sdelay $0x3  }
0x98: {  	_ =	strace s19  }
0x99: {  	s4 =	sld [smem:$0x3FFC];
	_ =	sdelay $0x3  }
0x9a: {  	_ =	strace s4  }
0x9b: {  	s4 =	sld [smem:$0x3FFD];
	_ =	sdelay $0x3  }
0x9c: {  	_ =	strace s4  }
0x9d: {  	_ =	strace $0x8FFFFFFF  }
0x9e: {  	s20 =	sld [smem:$0x3FDB];
	_ =	sdelay $0x1  }
0x9f: {  	s5 =	simm.s32 $_scs_section_size  }
0xa0: {  	s6 =	simm.s32 $_size__tile_overlayer_lowered;
	s7 =	simm.s32 $_tile_overlayer_lowered  }
0xa1: {  	s23 =	simm.s32 $0x1BFF;
	s22 =	sshll.u32 s7, $0x1;
	s4 =	sadd.s32 s5, s20  }
0xa2: {  	s8 =	simm.s32 $0x0;
	s21 =	sshll.u32 s6, $0x1;
	s6 =	sadd.s32 s22, s4  }
0xa3: {  	[timem:s8], [sflag:s23] =	dma.local [hbm:s6], s21  }
0xa4: {  	_ =	swait.ge [sflag:s23], s21  }
0xa5: {  	s5 =	ssub.s32 $0x0, s21;
	[sflag:s23] =	ssyncset.done $0x0  }
0xa6: {  	[sflag:s23] =	ssyncadd.s32 s5;
	_ =	sdelay $0x1  }
0xa7: {  	s24 =	simm.s32 $0x1B8B  }
0xa8: {  	_ =	swait.ge [sflag:s24], $0x1  }
0xa9: {  	[sflag:s24] =	ssyncset.done $0x0  }
0xaa: {  	s25 =	simm.s32 $0x1B8E;
	[sflag:s24] =	ssyncadd.s32 $0xFFFFFFFF  }
0xab: {  	s26 =	simm.s32 $execute0_lowered;
	[smem:$0x3FD2] =	sst s25  }
0xac: {  	s5 =	sshll.u32 s26, $0x1;
	_ =	strace $0x80000046;
	[dreg:$0x1] =	wrdreg $0xFFFFFFFF  }
0xad: {  	s28 =	simm.s32 $_size_execute0_lowered;
	s4 =	sadd.s32 s4, s5;
	[dreg:$0x0] =	wrdreg $0x0  }
0xae: {  	s5 =	sshll.u32 s28, $0x1;
	[dreg:$0x2] =	wrdreg s4  }
0xaf: {  	[dreg:$0x3] =	wrdreg s5  }
0xb0: {  	[dreg:$0x4] =	wrdreg $0xC0  }
0xb1: {  	_ =	task [dreg:s8], $0x5FFFF  }
0xb2: {  	[dreg:$0x1] =	wrdreg $0xFFFFFFFF  }
0xb3: {  	[dreg:$0x0] =	wrdreg $0x60  }
0xb4: {  	[dreg:$0x2] =	wrdreg s18  }
0xb5: {  	[dreg:$0x3] =	wrdreg s17  }
0xb6: {  	[dreg:$0x4] =	wrdreg $0x7A800  }
0xb7: {  	[dreg:$0x5] =	wrdreg $0x9  }
0xb8: {  	_ =	task.clear_ibuf [dreg:s8], $0x6FFFF;
	_ =	strace $0x90000046  }
0xb9: {  	s29 =	simm.s32 $0x9;
	_ =	strace $0x80000048  }
0xba: {  	_ =	swait.ge [sflag:s29], $0x1  }
0xbb: {  	[sflag:s29] =	ssyncadd.s32 $0xFFFFFFFF  }
0xbc: {  	_ =	strace $0x90000048  }
0xbd: {  	_ =	sfence  }
0xbe: {  	s30 =	sld [smem:$0x0];
	_ =	sdelay $0x2  }
0xbf: {  	s31 =	sshll.u32 s1, $0xD;
	s1 =	sshrl.u32 s1, $0x2  }
0xc0: {  	s3 =	sand.u32 $0x4000, s31;
	s1 =	sadd.s32 s1, s30  }
0xc1: {  	s0 =	sor.u32 s3, s0;
	s1 =	sshll.u32 s1, $0x11  }
0xc2: {  	s0 =	sor.u32 s1, s0  }
0xc3: {  	s0 =	sadd.s32 $0x8F2B, s0  }
0xc4: {  	[sflag:s0] =	ssyncadd.remote.s32 $0x1  }
0xc5: {  	_ =	sfence.sel $0xFFFF  }
0xc6: {  	[dreg:$0x0] =	wrdreg $0xFFFFFFFF;
	(pc) =	sbr.abs _section_cstart, $3  }
0xc7: {  	[dreg:$0x1] =	wrdreg $0xFFFFFFFF  }
0xc8: {  	_ =	task.clear_ibuf [dreg:s8], $0x2FFFF;
	_ =	strace $0x9FFFFFFF  }
0xc9: {  	(tm) =	ssettm $0x7FFFFFFF  }
tec
execute0_lowered:
.L_overlay_start_1:
0x0: {  	(tag) =	ssettag $0x1  }
0x1: {  	s3 =	rddreg [dreg:$0x0]  }
0x2: {  	s6 =	rddreg [dreg:$0x1]  }
0x3: {  	s0 =	srdreg.scid;
	s5 =	rddreg [dreg:$0x2]  }
0x4: {  	s1 =	stileid.u32;
	s2 =	simm.s32 $0x0;
	s12 =	simm.s32 $0x1400  }
0x5: {  	s13 =	simm.s32 $0x14000;
	s14 =	simm.s32 $0x5000;
	s15 =	simm.s32 $0x100  }
0x6: {  	s16 =	simm.s32 $0x7800;
	s17 =	simm.s32 $0x0;
	s4 =	sand.u32 $0x1, s0  }
0x7: {  	s0 =	rddreg [dreg:$0x3];
	s9 =	sshrl.u32 s1, $0x3;
	s29 =	smul.u32 $0x5000, s1  }
0x8: {  	[smem:$0x7FF] =	sst s2;
	s30 =	sshll.u32 s1, $0x7;
	s11 =	smul.u32 $0x500, s1  }
0x9: {  	s7 =	sshll.u32 s4, $0x4;
	s8 =	ssub.s32 $0x2, s4;
	s9 =	smul.u32 $0x50000, s9  }
0xa: {  	_ =	strace $0x80000047;
	s4 =	sshll.u32 s4, $0x7;
	s7 =	sor.u32 s1, s7  }
0xb: {  	s10 =	sshrl.u32 s8, $0x1;
	s11 =	sor.u32 s4, s11;
	s7 =	smul.u32 $0x500, s7  }
0xc: {  	s8 =	ssub.s32 s8, s10;
	s9 =	sshrl.u32 s9, $0x2;
	s10 =	sshrl.u32 s29, $0x2  }
0xd: {  	s31 =	sshrl.u32 s11, $0x3;
	s11 =	simm.s32 $0x400;
	s9 =	sadd.s32 s9, s5  }
0xe: {  	s5 =	sadd.s32 s10, s5;
	s3 =	sadd.s32 s3, s7;
	s7 =	sand.u32 $0x380, s30  }
0xf: {  	s6 =	sadd.s32 s6, s31;
	s10 =	simm.s32 $0x80;
	s4 =	sadd.s32 s7, s9  }
0x10: {  	v0 =	vimm.f32 $0.0e+00;
	v1 =	vimm.f32 $1.000000000e+00;
	s7 =	smax.u32 s8, $0x1;
	s8 =	simm.s32 $0x1;
	s9 =	simm.s32 $0x2800  }
.LBB2_1:
0x11: {  	[tilespmem:s2], [sflag:$0x1] =	stream.linear.gather [hbm4b:s3+s2], $0x2800, $0x38;
	[tilespmem:$0xA280] =	vst v63  }
0x12: {  	_ =	swait.ge [sflag:s8], $0x2800  }
0x13: {  	[sflag:s8] =	ssyncset.done $0x0  }
0x14: {  	s18 =	simm.s32 $0x0;
	[sflag:s8] =	ssyncadd.s32 $0xFFFFD800  }
.LBB2_2:
0x15: {  	p0 =	sne.s32 s18, $0x9FC0  }
.Ltmp0:
0x16: {  	_ = 	snop;
	(pc) =	sbr.rel @p0 .LBB2_2-.Ltmp0, $3  }
0x17: {  	_ =	sdelay $0x1  }
0x18: {  	s19 =	sshra.s32 s18, $0x2  }
0x19: {  	s18 =	sadd.s32 $0x40, s18;
	[tilespmem:s19+$0x2800] =	vst v0  }
0x1a: {  	s18 =	simm.s32 $0x0  }
.LBB2_4:
0x1b: {  	s19 =	sshra.s32 s18, $0x2  }
0x1c: {  	v2 =	vld [tilespmem:s19+$0x0];
	_ =	sdelay $0x7  }
0x1d: {  	[tilespmem:v2+s9+$0x0] =	vst.idx.add.f32.msk $0xffff, v1  }
0x1e: {  	v2 =	vld [tilespmem:s19+$0x10];
	_ =	sdelay $0x7  }
0x1f: {  	[tilespmem:v2+s9+$0x0] =	vst.idx.add.f32.msk $0xffff, v1  }
0x20: {  	v2 =	vld [tilespmem:s19+$0x20];
	_ =	sdelay $0x7  }
0x21: {  	[tilespmem:v2+s9+$0x0] =	vst.idx.add.f32.msk $0xffff, v1  }
0x22: {  	v2 =	vld [tilespmem:s19+$0x30];
	_ =	sdelay $0x7  }
0x23: {  	[tilespmem:v2+s9+$0x0] =	vst.idx.add.f32.msk $0xffff, v1  }
0x24: {  	v2 =	vld [tilespmem:s19+$0x40];
	_ =	sdelay $0x7  }
0x25: {  	[tilespmem:v2+s9+$0x0] =	vst.idx.add.f32.msk $0xffff, v1  }
0x26: {  	v2 =	vld [tilespmem:s19+$0x50];
	_ =	sdelay $0x7  }
0x27: {  	[tilespmem:v2+s9+$0x0] =	vst.idx.add.f32.msk $0xffff, v1  }
0x28: {  	v2 =	vld [tilespmem:s19+$0x60];
	_ =	sdelay $0x7  }
0x29: {  	[tilespmem:v2+s9+$0x0] =	vst.idx.add.f32.msk $0xffff, v1  }
0x2a: {  	v2 =	vld [tilespmem:s19+$0x70];
	_ =	sdelay $0x2  }
0x2b: {  	p0 =	sne.s32 s18, $0x9E00  }
.Ltmp1:
0x2c: {  	_ = 	snop;
	(pc) =	sbr.rel @p0 .LBB2_4-.Ltmp1, $2  }
0x2d: {  	_ =	sdelay $0x2  }
0x2e: {  	s18 =	sadd.s32 $0x200, s18;
	[tilespmem:v2+s9+$0x0] =	vst.idx.add.f32.msk $0xffff, v1  }
0x2f: {  	[spmem:s4] =	stream.strided.scatter [tilespmem:s9], [sflag:$0x1], $0x2800, s11, s10, $0x38;
	[tilespmem:$0xA280] =	vst v63  }
0x30: {  	_ =	swait.ge [sflag:s8], $0x2800  }
0x31: {  	[sflag:s8] =	ssyncset.done $0x0  }
0x32: {  	[sflag:s8] =	ssyncadd.s32 $0xFFFFD800  }
0x33: {  	[bflag:$0x0] =	sbarrier.arrive $0xFFFF  }
0x34: {  	[tilespmem:s14], [sflag:$0x1] =	stream.strided.gather [spmem:s5], $0x2800, s13, s12, $0x38;
	[tilespmem:$0xA280] =	vst v63  }
0x35: {  	s18 =	simm.s32 $0x0;
	_ =	swait.ge [sflag:s8], $0x2800  }
0x36: {  	s19 =	sand.u32 $0x70, s18;
	s18 =	sand.u32 $0x1C00, s18;
	[sflag:s8] =	ssyncset.done $0x0  }
0x37: {  	s18 =	sor.u32 s19, s18;
	[sflag:s8] =	ssyncadd.s32 $0xFFFFD800  }
0x38: {  	v2 =	vld [tilespmem:s18+$0x5080]  }
0x39: {  	v3 =	vld [tilespmem:s18+$0x5000];
	_ =	sdelay $0x1  }
0x3a: {  	v4 =	vld [tilespmem:s18+$0x5100];
	_ =	sdelay $0x1  }
0x3b: {  	v5 =	vld [tilespmem:s18+$0x5180]  }
0x3c: {  	v2 =	vadd.f32 v2, v3  }
0x3d: {  	v3 =	vld [tilespmem:s18+$0x5200]  }
0x3e: {  	v2 =	vadd.f32 v4, v2  }
0x3f: {  	v56 =	vld [tilespmem:s18+$0x5280]  }
0x40: {  	v2 =	vadd.f32 v5, v2  }
0x41: {  	v57 =	vld [tilespmem:s18+$0x5300]  }
0x42: {  	v2 =	vadd.f32 v3, v2  }
0x43: {  	v3 =	vld [tilespmem:s18+$0x5380]  }
0x44: {  	v2 =	vadd.f32 v56, v2  }
0x45: {  	v58 =	vld [tilespmem:s18+$0x6400]  }
0x46: {  	v2 =	vadd.f32 v57, v2  }
0x47: {  	v59 =	vld [tilespmem:s18+$0x6480]  }
0x48: {  	v2 =	vadd.f32 v3, v2  }
0x49: {  	v3 =	vld [tilespmem:s18+$0x6500]  }
0x4a: {  	v2 =	vadd.f32 v58, v2  }
0x4b: {  	v60 =	vld [tilespmem:s18+$0x6580]  }
0x4c: {  	v2 =	vadd.f32 v59, v2  }
0x4d: {  	v61 =	vld [tilespmem:s18+$0x6600]  }
0x4e: {  	v2 =	vadd.f32 v3, v2  }
0x4f: {  	v3 =	vld [tilespmem:s18+$0x6680]  }
0x50: {  	v2 =	vadd.f32 v60, v2  }
0x51: {  	v62 =	vld [tilespmem:s18+$0x6700]  }
0x52: {  	v2 =	vadd.f32 v61, v2  }
0x53: {  	v63 =	vld [tilespmem:s18+$0x6780]  }
0x54: {  	v2 =	vadd.f32 v3, v2;
	_ =	sdelay $0x1  }
0x55: {  	v2 =	vadd.f32 v62, v2;
	_ =	sdelay $0x1  }
0x56: {  	s31 =	simm.s32 $0x10;
	s20 =	simm.s32 $0x80;
	v2 =	vadd.f32 v63, v2  }
0x57: {  	s21 =	sand.u32 $0x1C00, s20;
	s19 =	sand.u32 $0x70, s31;
	s18 =	simm.s32 $0x7800  }
0x58: {  	s19 =	sor.u32 s19, s21;
	s21 =	simm.s32 $0x20;
	[tilespmem:s18+$0x0] =	vst v2  }
.LBB2_6:
0x59: {  	p0 =	sne.s32 s21, $0x270;
	v2 =	vld [tilespmem:s19+$0x5080]  }
0x5a: {  	v3 =	vld [tilespmem:s19+$0x5000];
	_ =	sdelay $0x1  }
0x5b: {  	v4 =	vld [tilespmem:s19+$0x5100];
	_ =	sdelay $0x1  }
0x5c: {  	v5 =	vld [tilespmem:s19+$0x5180]  }
0x5d: {  	v2 =	vadd.f32 v2, v3  }
0x5e: {  	v3 =	vld [tilespmem:s19+$0x5200]  }
0x5f: {  	v2 =	vadd.f32 v4, v2  }
0x60: {  	v4 =	vld [tilespmem:s19+$0x5280]  }
0x61: {  	v2 =	vadd.f32 v5, v2  }
0x62: {  	v5 =	vld [tilespmem:s19+$0x5300]  }
0x63: {  	v2 =	vadd.f32 v3, v2  }
0x64: {  	v3 =	vld [tilespmem:s19+$0x5380]  }
0x65: {  	v2 =	vadd.f32 v4, v2  }
0x66: {  	v4 =	vld [tilespmem:s19+$0x6400]  }
0x67: {  	v2 =	vadd.f32 v5, v2  }
0x68: {  	v5 =	vld [tilespmem:s19+$0x6480]  }
0x69: {  	v2 =	vadd.f32 v3, v2  }
0x6a: {  	v3 =	vld [tilespmem:s19+$0x6500]  }
0x6b: {  	v2 =	vadd.f32 v4, v2  }
0x6c: {  	v4 =	vld [tilespmem:s19+$0x6580]  }
0x6d: {  	v2 =	vadd.f32 v5, v2  }
0x6e: {  	v5 =	vld [tilespmem:s19+$0x6600]  }
0x6f: {  	v2 =	vadd.f32 v3, v2  }
0x70: {  	v3 =	vld [tilespmem:s19+$0x6680]  }
0x71: {  	v2 =	vadd.f32 v4, v2  }
0x72: {  	v4 =	vld [tilespmem:s19+$0x6700]  }
0x73: {  	v2 =	vadd.f32 v5, v2  }
0x74: {  	v5 =	vld [tilespmem:s19+$0x6780]  }
0x75: {  	v2 =	vadd.f32 v3, v2;
	_ =	sdelay $0x1  }
.Ltmp2:
0x76: {  	v2 =	vadd.f32 v4, v2;
	(pc) =	sbr.rel @p0 .LBB2_6-.Ltmp2, $4  }
0x77: {  	_ = 	snop  }
0x78: {  	s20 =	sadd.s32 $0x80, s20;
	v2 =	vadd.f32 v5, v2  }
0x79: {  	s18 =	sadd.s32 $0x10, s18;
	s22 =	sand.u32 $0x1C00, s20;
	s19 =	sand.u32 $0x70, s21  }
0x7a: {  	s21 =	sadd.s32 $0x10, s21;
	s19 =	sor.u32 s19, s22;
	[tilespmem:s18+$0x0] =	vst v2  }
0x7b: {  	v2 =	vld [tilespmem:s19+$0x5080]  }
0x7c: {  	v3 =	vld [tilespmem:s19+$0x5000];
	_ =	sdelay $0x1  }
0x7d: {  	v4 =	vld [tilespmem:s19+$0x5100];
	_ =	sdelay $0x1  }
0x7e: {  	v5 =	vld [tilespmem:s19+$0x5180]  }
0x7f: {  	v2 =	vadd.f32 v2, v3  }
0x80: {  	v3 =	vld [tilespmem:s19+$0x5200]  }
0x81: {  	v2 =	vadd.f32 v4, v2  }
0x82: {  	v56 =	vld [tilespmem:s19+$0x5280]  }
0x83: {  	v2 =	vadd.f32 v5, v2  }
0x84: {  	v57 =	vld [tilespmem:s19+$0x5300]  }
0x85: {  	v2 =	vadd.f32 v3, v2  }
0x86: {  	v3 =	vld [tilespmem:s19+$0x5380]  }
0x87: {  	v2 =	vadd.f32 v56, v2  }
0x88: {  	v58 =	vld [tilespmem:s19+$0x6400]  }
0x89: {  	v2 =	vadd.f32 v57, v2  }
0x8a: {  	v59 =	vld [tilespmem:s19+$0x6480]  }
0x8b: {  	v2 =	vadd.f32 v3, v2  }
0x8c: {  	v3 =	vld [tilespmem:s19+$0x6500]  }
0x8d: {  	v2 =	vadd.f32 v58, v2  }
0x8e: {  	v60 =	vld [tilespmem:s19+$0x6580]  }
0x8f: {  	v2 =	vadd.f32 v59, v2  }
0x90: {  	v61 =	vld [tilespmem:s19+$0x6600]  }
0x91: {  	v2 =	vadd.f32 v3, v2  }
0x92: {  	v3 =	vld [tilespmem:s19+$0x6680]  }
0x93: {  	v2 =	vadd.f32 v60, v2  }
0x94: {  	v62 =	vld [tilespmem:s19+$0x6700]  }
0x95: {  	v2 =	vadd.f32 v61, v2  }
0x96: {  	v63 =	vld [tilespmem:s19+$0x6780]  }
0x97: {  	v2 =	vadd.f32 v3, v2;
	_ =	sdelay $0x1  }
0x98: {  	v2 =	vadd.f32 v62, v2;
	_ =	sdelay $0x1  }
0x99: {  	s17 =	sadd.s32 $0x1, s17;
	v2 =	vadd.f32 v63, v2  }
0x9a: {  	s18 =	sadd.s32 $0x10, s18;
	p0 =	sne.s32 s17, s7  }
.Ltmp3:
0x9b: {  	[tilespmem:s18+$0x0] =	vst v2;
	(pc) =	sbr.rel @p0 .LBB2_1-.Ltmp3, $4  }
0x9c: {  	[hbm4b:s6+s10] =	stream.strided.scatter [tilespmem:s16], [sflag:$0x1], $0x280, s15, s10, $0x38;
	[tilespmem:$0xA280] =	vst v63  }
0x9d: {  	_ =	swait.ge [sflag:s8], $0x280  }
0x9e: {  	[sflag:s8] =	ssyncset.done $0x0  }
0x9f: {  	[sflag:s8] =	ssyncadd.s32 $0xFFFFFD80  }
0xa0: {  	_ =	sfence.sel $0x180000  }
0xa1: {  	[bflag:$0x0] =	sbarrier.arrive $0xFFFF  }
0xa2: {  	p0 =	sne.s32 s1, $0x0;
	_ =	strace $0x90000047  }
0xa3: {  	s0 =	sadd.s32 @!p0 $0x100000, s0;
	[bflag:$0x2] =	sbarrier.arrive $0xFFFF  }
0xa4: {  	[sflag:s0] =	ssyncadd.tile.s32 @!p0 $0x1;
	_ =	shalt  }
.Lfunc_end2:
_tile_overlayer_lowered:
.L_overlay_start_2:
0xa5: {  	(tag) =	ssettag $0x2  }
0xa6: {  	s0 =	rddreg [dreg:$0x0];
	s2 =	stileid.u32  }
0xa7: {  	s1 =	rddreg [dreg:$0x1];
	p0 =	sne.s32 s2, $0x0  }
0xa8: {  	s3 =	rddreg [dreg:$0x2];
	[bflag:$0x3] =	sbarrier.arrive $0xFFFF;
	s2 =	simm.s32 @!p0 $0x1C01  }
0xa9: {  	[timem:s3], [sflag:s2] =	dma.local @!p0 [hbm:s0], s1  }
0xaa: {  	s0 =	simm.s32 @!p0 $0x1  }
0xab: {  	_ =	swait.ge @!p0 [sflag:s0], s1  }
0xac: {  	s1 =	ssub.s32 @!p0 $0x0, s1;
	[sflag:s0] =	ssyncset.done @!p0 $0x0  }
0xad: {  	[sflag:s0] =	ssyncadd.s32 @!p0 s1  }
0xae: {  	[bflag:$0x3] =	sbarrier.arrive $0xFFFF  }
0xaf: {  	_ =	shalt  }

// kernel: kernel.13.cloned.1.call-start
scs
__scs_entry_jumppad:
0x0: {  	(pc) =	sbr.rel $0x88, $3  }
0x1: {  	(tag) =	ssettag $0x0;
	lr =	simm.s32 $0x1  }
0x2: {  	[smem:$0x3F96] =	sst lr;
	_ =	strace $0xD0000000  }
0x3: {  	_ = 	snop  }
0x4: {  	_ = 	snop  }
0x5: {  	_ = 	snop  }
0x6: {  	_ = 	snop  }
0x7: {  	_ = 	snop  }
__scs_overlays_trampoline_lowered:
0x8: {  	[smem:$0x3FA5] =	sst s0  }
0x9: {  	[smem:$0x3FA6] =	sst s1  }
0xa: {  	[smem:$0x3FA7] =	sst s2  }
0xb: {  	[smem:$0x3FA8] =	sst s3  }
0xc: {  	[smem:$0x3FA9] =	sst s4  }
0xd: {  	[smem:$0x3FAA] =	sst s5  }
0xe: {  	[smem:$0x3FAB] =	sst s6  }
0xf: {  	[smem:$0x3FAC] =	sst s7  }
0x10: {  	[smem:$0x3FAD] =	sst s8  }
0x11: {  	[smem:$0x3FAE] =	sst s9;
	s0 =	simm.s32 @!p0 $0x0  }
0x12: {  	s1 =	sld [smem:$0x3F94];
	s0 =	simm.s32 @p0 $0x1  }
0x13: {  	[smem:$0x3FAF] =	sst s0;
	s0 =	simm.s32 @!p1 $0x0  }
0x14: {  	s2 =	sld [smem:$0x3F93];
	s0 =	simm.s32 @p1 $0x1  }
0x15: {  	[smem:$0x3FB0] =	sst s0;
	s0 =	simm.s32 @!p2 $0x0  }
0x16: {  	s3 =	sld [smem:$0x3FDB];
	s0 =	simm.s32 @p2 $0x1  }
0x17: {  	s4 =	simm.s32 $0x1BF5;
	[smem:$0x3FB2] =	sst s0  }
0x18: {  	s0 =	sld [smem:$0x3F95];
	_ =	swait.ge [sflag:s4], $0x0  }
0x19: {  	s7 =	sld [smem:$0x3F96]  }
0x1a: {  	s8 =	sadd.s32 $0xFFFFE003, lr  }
0x1b: {  	s9 =	sadd.s32 $0xFFFFFEF7, lr;
	s5 =	simm.s32 $0xFFFFFFFF;
	p2 =	slt.u32 s8, $0xFFFFF086  }
0x1c: {  	p1 =	slt.u32 s9, $0xF7A;
	s5 =	simm.s32 @!p2 $0x0  }
0x1d: {  	s5 =	simm.s32 @p1 $0x1;
	p0 =	seq.s32 s7, s2  }
0x1e: {  	s7 =	smul.u32 @!p0 $0xF7A, s2;
	p2 =	seq.s32 @!p0 s5, $0x0  }
0x1f: {  	s9 =	smul.u32 $0xF7A, s1;
	s8 =	simm.s32 @!p0 $0x1BF5;
	p2 =	por !p2, p0  }
0x20: {  	[sflag:s8] =	ssyncset.s32 @!p0 $0xFFFFF086;
	s6 =	sadd.s32 @!p0 s3, s7;
	s7 =	simm.s32 @!p0 $0x108  }
0x21: {  	s3 =	sadd.s32 s3, s9;
	s6 =	sadd.s32 @!p0 $0x88, s6;
	s7 =	simm.s32 @p2 $0x1082  }
0x22: {  	[simem:s7], [sflag:s8] =	dma.local @!p0 [hbm:s6], $0xF7A  }
0x23: {  	s9 =	sor.u32 $0xD0000000, s2;
	s6 =	simm.s32 $0x108;
	_ =	swait.ge @!p0 [sflag:s8], $0x0  }
0x24: {  	s3 =	sadd.s32 $0x88, s3;
	s6 =	simm.s32 @!p1 $0x1082;
	[sflag:s4] =	ssyncset.s32 $0xFFFFF086  }
0x25: {  	[simem:s6], [sflag:s4] =	dma.local [hbm:s3], $0xF7A  }
0x26: {  	[smem:$0x3F96] =	sst s1;
	(tag) =	ssettag s2;
	_ =	strace s9  }
0x27: {  	s1 =	sld [smem:$0x3FA6]  }
0x28: {  	s2 =	sld [smem:$0x3FA7]  }
0x29: {  	s4 =	sld [smem:$0x3FA9]  }
0x2a: {  	p0 =	seq.s32 s5, $0x0;
	s5 =	sld [smem:$0x3FAA]  }
0x2b: {  	s6 =	sld [smem:$0x3FAB]  }
0x2c: {  	s7 =	sld [smem:$0x3FAC]  }
0x2d: {  	s3 =	simm.s32 $0x108;
	s8 =	sld [smem:$0x3FAD]  }
0x2e: {  	s3 =	simm.s32 @!p0 $0x1082;
	s9 =	sld [smem:$0x3FAE]  }
0x2f: {  	lr =	sadd.s32 s0, s3;
	s0 =	sld [smem:$0x3FA5]  }
0x30: {  	s3 =	sld [smem:$0x3FA8]  }
0x31: {  	[smem:$0x3FB1] =	sst s10  }
0x32: {  	s10 =	sld [smem:$0x3FAF];
	_ =	sdelay $0x3  }
0x33: {  	p0 =	seq.s32 s10, $0x1;
	s10 =	sld [smem:$0x3FB1];
	_ =	sdelay $0x3  }
0x34: {  	[smem:$0x3FB1] =	sst s10  }
0x35: {  	s10 =	sld [smem:$0x3FB0];
	_ =	sdelay $0x3  }
0x36: {  	p1 =	seq.s32 s10, $0x1;
	s10 =	sld [smem:$0x3FB1];
	_ =	sdelay $0x3  }
0x37: {  	[smem:$0x3FB1] =	sst s10  }
0x38: {  	s10 =	sld [smem:$0x3FB2]  }
0x39: {  	_ = 	snop;
	(pc) =	sbr.ind lr, $3  }
0x3a: {  	_ = 	snop  }
0x3b: {  	_ = 	snop  }
0x3c: {  	p2 =	seq.s32 s10, $0x1;
	s10 =	sld [smem:$0x3FB1]  }
0x3d: {  	_ =	shalt  }
0x3e: {  	_ =	shalt  }
0x3f: {  	_ =	shalt  }
0x40: {  	_ =	shalt  }
0x41: {  	_ =	shalt  }
0x42: {  	_ =	shalt  }
0x43: {  	_ =	shalt  }
0x44: {  	_ =	shalt  }
0x45: {  	_ =	shalt  }
0x46: {  	_ =	shalt  }
0x47: {  	_ =	shalt  }
0x48: {  	_ =	shalt  }
0x49: {  	_ =	shalt  }
0x4a: {  	_ =	shalt  }
0x4b: {  	_ =	shalt  }
0x4c: {  	_ =	shalt  }
0x4d: {  	_ =	shalt  }
0x4e: {  	_ =	shalt  }
0x4f: {  	_ =	shalt  }
0x50: {  	_ =	shalt  }
0x51: {  	_ =	shalt  }
0x52: {  	_ =	shalt  }
0x53: {  	_ =	shalt  }
0x54: {  	_ =	shalt  }
0x55: {  	_ =	shalt  }
0x56: {  	_ =	shalt  }
0x57: {  	_ =	shalt  }
0x58: {  	_ =	shalt  }
0x59: {  	_ =	shalt  }
0x5a: {  	_ =	shalt  }
0x5b: {  	_ =	shalt  }
0x5c: {  	_ =	shalt  }
0x5d: {  	_ =	shalt  }
0x5e: {  	_ =	shalt  }
0x5f: {  	_ =	shalt  }
0x60: {  	_ =	shalt  }
0x61: {  	_ =	shalt  }
0x62: {  	_ =	shalt  }
0x63: {  	_ =	shalt  }
0x64: {  	_ =	shalt  }
0x65: {  	_ =	shalt  }
0x66: {  	_ =	shalt  }
0x67: {  	_ =	shalt  }
0x68: {  	_ =	shalt  }
0x69: {  	_ =	shalt  }
0x6a: {  	_ =	shalt  }
0x6b: {  	_ =	shalt  }
0x6c: {  	_ =	shalt  }
0x6d: {  	_ =	shalt  }
0x6e: {  	_ =	shalt  }
0x6f: {  	_ =	shalt  }
0x70: {  	_ =	shalt  }
0x71: {  	_ =	shalt  }
0x72: {  	_ =	shalt  }
0x73: {  	_ =	shalt  }
0x74: {  	_ =	shalt  }
0x75: {  	_ =	shalt  }
0x76: {  	_ =	shalt  }
0x77: {  	_ =	shalt  }
0x78: {  	_ =	shalt  }
0x79: {  	_ =	shalt  }
0x7a: {  	_ =	shalt  }
0x7b: {  	_ =	shalt  }
0x7c: {  	_ =	shalt  }
0x7d: {  	_ =	shalt  }
0x7e: {  	_ =	shalt  }
0x7f: {  	_ =	shalt  }
0x80: {  	_ =	shalt  }
0x81: {  	_ =	shalt  }
0x82: {  	_ =	shalt  }
0x83: {  	_ =	shalt  }
0x84: {  	_ =	shalt  }
0x85: {  	_ =	shalt  }
0x86: {  	_ =	shalt  }
0x87: {  	_ =	shalt  }
.Lfunc_end0:
.L_simem_size_0:
called_computation.1_lowered:
.L_overlay_start_0:
0x88: {  	s2 =	sld [smem:$0x3FD9]  }
0x89: {  	s3 =	sld [smem:$0x3FFE];
	_ =	sdelay $0x1  }
0x8a: {  	s1 =	srdreg.scid  }
0x8b: {  	s0 =	sand.u32 $0x1, s1  }
0x8c: {  	s14 =	sshll.u32 s0, $0xA;
	s2 =	sadd.s32 s3, s2  }
0x8d: {  	s2 =	sadd.s32 s2, s14  }
0x8e: {  	[smem:$0x3FBD] =	sst s2  }
0x8f: {  	_ = 	snop  }
0x90: {  	s2 =	sld [smem:$0x3FD0];
	_ =	sdelay $0x2  }
0x91: {  	s15 =	simm.s32 $0xA;
	s4 =	simm.s32 $0x10  }
0x92: {  	[smem:s4], [sflag:s15] =	dma.local [hbm:s2], $0x1  }
0x93: {  	_ =	swait.eq [sflag:s15], $0x1  }
0x94: {  	[sflag:s15] =	ssyncset.done $0x0  }
0x95: {  	[sflag:s15] =	ssyncadd.s32 $0xFFFFFFFF  }
0x96: {  	s16 =	sld [smem:$0x11];
	(tm) =	ssettm $0x1  }
0x97: {  	s17 =	sld [smem:$0x3FFB];
	_ =	sdelay $0x3  }
0x98: {  	_ =	strace s17  }
0x99: {  	s3 =	sld [smem:$0x3FFC];
	_ =	sdelay $0x3  }
0x9a: {  	_ =	strace s3  }
0x9b: {  	s3 =	sld [smem:$0x3FFD];
	_ =	sdelay $0x3  }
0x9c: {  	_ =	strace s3  }
0x9d: {  	_ =	strace $0x8FFFFFFF  }
0x9e: {  	s18 =	sld [smem:$0x3FDB];
	_ =	sdelay $0x1  }
0x9f: {  	s19 =	simm.s32 $_scs_section_size  }
0xa0: {  	s5 =	simm.s32 $_size__tile_overlayer_lowered;
	s6 =	simm.s32 $_tile_overlayer_lowered  }
0xa1: {  	s22 =	simm.s32 $0x1BFF;
	s21 =	sshll.u32 s6, $0x1;
	s3 =	sadd.s32 s19, s18  }
0xa2: {  	s7 =	simm.s32 $0x0;
	s20 =	sshll.u32 s5, $0x1;
	s5 =	sadd.s32 s21, s3  }
0xa3: {  	[timem:s7], [sflag:s22] =	dma.local [hbm:s5], s20  }
0xa4: {  	_ =	swait.ge [sflag:s22], s20  }
0xa5: {  	s4 =	ssub.s32 $0x0, s20;
	[sflag:s22] =	ssyncset.done $0x0  }
0xa6: {  	[sflag:s22] =	ssyncadd.s32 s4;
	_ =	sdelay $0x1  }
0xa7: {  	s23 =	simm.s32 $0x1B8B  }
0xa8: {  	_ =	swait.ge [sflag:s23], $0x1  }
0xa9: {  	[sflag:s23] =	ssyncset.done $0x0  }
0xaa: {  	s25 =	simm.s32 $0x1B8E;
	s24 =	sld [smem:$0x3FFE];
	[sflag:s23] =	ssyncadd.s32 $0xFFFFFFFF  }
0xab: {  	s26 =	simm.s32 $execute0_lowered;
	[smem:$0x3FD2] =	sst s25  }
0xac: {  	s5 =	sshll.u32 s26, $0x1;
	_ =	strace $0x80000049;
	[dreg:$0x1] =	wrdreg $0xFFFFFFFF  }
0xad: {  	s28 =	simm.s32 $_size_execute0_lowered;
	s3 =	sadd.s32 s3, s5;
	[dreg:$0x0] =	wrdreg $0x0  }
0xae: {  	s5 =	sshll.u32 s28, $0x1;
	[dreg:$0x2] =	wrdreg s3  }
0xaf: {  	[dreg:$0x3] =	wrdreg s5  }
0xb0: {  	[dreg:$0x4] =	wrdreg $0xC0  }
0xb1: {  	_ =	task [dreg:s7], $0x5FFFF  }
0xb2: {  	[dreg:$0x1] =	wrdreg $0xFFFFFFFF  }
0xb3: {  	[dreg:$0x0] =	wrdreg $0x60  }
0xb4: {  	[dreg:$0x2] =	wrdreg s24  }
0xb5: {  	[dreg:$0x3] =	wrdreg s16  }
0xb6: {  	[dreg:$0x4] =	wrdreg $0x90000  }
0xb7: {  	[dreg:$0x5] =	wrdreg $0x9  }
0xb8: {  	_ =	task.clear_ibuf [dreg:s7], $0x6FFFF;
	_ =	strace $0x90000049  }
0xb9: {  	s29 =	simm.s32 $0x9;
	_ =	strace $0x8000004B  }
0xba: {  	_ =	swait.ge [sflag:s29], $0x1  }
0xbb: {  	[sflag:s29] =	ssyncadd.s32 $0xFFFFFFFF  }
0xbc: {  	_ =	strace $0x9000004B  }
0xbd: {  	_ =	sfence  }
0xbe: {  	s30 =	sld [smem:$0x0];
	_ =	sdelay $0x2  }
0xbf: {  	s31 =	sshll.u32 s1, $0xD;
	s1 =	sshrl.u32 s1, $0x2  }
0xc0: {  	s3 =	sand.u32 $0x4000, s31;
	s1 =	sadd.s32 s1, s30  }
0xc1: {  	s0 =	sor.u32 s3, s0;
	s1 =	sshll.u32 s1, $0x11  }
0xc2: {  	s0 =	sor.u32 s1, s0  }
0xc3: {  	s0 =	sadd.s32 $0x8F2B, s0  }
0xc4: {  	[sflag:s0] =	ssyncadd.remote.s32 $0x1  }
0xc5: {  	_ =	sfence.sel $0xFFFF  }
0xc6: {  	[dreg:$0x0] =	wrdreg $0xFFFFFFFF;
	(pc) =	sbr.abs _section_cstart, $3  }
0xc7: {  	[dreg:$0x1] =	wrdreg $0xFFFFFFFF  }
0xc8: {  	_ =	task.clear_ibuf [dreg:s7], $0x2FFFF;
	_ =	strace $0x9FFFFFFF  }
0xc9: {  	(tm) =	ssettm $0x7FFFFFFF  }
tec
execute0_lowered:
.L_overlay_start_1:
0x0: {  	(tag) =	ssettag $0x1  }
0x1: {  	s5 =	rddreg [dreg:$0x0]  }
0x2: {  	s8 =	rddreg [dreg:$0x1]  }
0x3: {  	s0 =	srdreg.scid;
	s2 =	rddreg [dreg:$0x2]  }
0x4: {  	s3 =	simm.s32 $0x0;
	s15 =	simm.s32 $0x5000;
	s16 =	simm.s32 $0x1  }
0x5: {  	s17 =	simm.s32 $0x0;
	s7 =	sand.u32 $0x1, s0;
	s0 =	stileid.u32  }
0x6: {  	[smem:$0x7FF] =	sst s3;
	s1 =	sshll.u32 s7, $0x4;
	s6 =	smul.u32 $0x2800, s0  }
0x7: {  	s10 =	ssub.s32 $0x2, s7;
	s11 =	smul.u32 $0x50000, s0;
	s31 =	sshll.u32 s0, $0x6  }
0x8: {  	p0 =	seq.s32 s7, $0x1;
	s4 =	sor.u32 s0, s1;
	s1 =	rddreg [dreg:$0x3]  }
0x9: {  	_ =	strace $0x8000004A;
	s13 =	sshrl.u32 s10, $0x1;
	s9 =	smul.u32 $0x500, s4  }
0xa: {  	s4 =	sadd.s32 $0xDA00, s5;
	s14 =	sadd.s32 s6, s5;
	s10 =	ssub.s32 s10, s13  }
0xb: {  	s30 =	sshrl.u32 s11, $0x2;
	s6 =	sor.u32 $0x1C02, s31;
	s13 =	simm.s32 $0x84C00  }
0xc: {  	s11 =	sadd.s32 s30, s2;
	s13 =	simm.s32 @!p0 $0x5CC00;
	s12 =	sadd.s32 s9, s5  }
0xd: {  	s5 =	sadd.s32 $0x34C00, s14;
	s8 =	sadd.s32 s8, s9;
	s9 =	smax.u32 s10, $0x1  }
0xe: {  	s10 =	sadd.s32 s13, s14;
	s11 =	sshrl.u32 s11, $0x3;
	s13 =	simm.s32 $0x2800  }
0xf: {  	s14 =	simm.s32 $0x80;
	s7 =	sadd.s32 $0x3A00, s12;
	s12 =	simm.s32 $0x2  }
.LBB2_1:
0x10: {  	[spmem:s11], [sflag:s6] =	dma.local [hbm:s5], $0x2800  }
0x11: {  	_ =	swait.ge [sflag:s12], $0x2800  }
0x12: {  	[sflag:s12] =	ssyncset.done $0x0  }
0x13: {  	[sflag:s12] =	ssyncadd.s32 $0xFFFFD800  }
0x14: {  	[tilespmem:s3], [sflag:$0x2] =	stream.linear.gather [hbm4b:s7+s3], $0x2800, $0x38;
	[tilespmem:$0x1D000] =	vst v63  }
0x15: {  	_ =	swait.ge [sflag:s12], $0x2800  }
0x16: {  	[sflag:s12] =	ssyncset.done $0x0  }
0x17: {  	[sflag:s12] =	ssyncadd.s32 $0xFFFFD800  }
0x18: {  	[tilespmem:s13], [sflag:$0x2] =	stream.linear.gather [hbm4b:s8+s3], $0x2800, $0x38;
	[tilespmem:$0x1D000] =	vst v63  }
0x19: {  	_ =	swait.ge [sflag:s12], $0x2800  }
0x1a: {  	[sflag:s12] =	ssyncset.done $0x0  }
0x1b: {  	[sflag:s12] =	ssyncadd.s32 $0xFFFFD800  }
0x1c: {  	s18 =	simm.s32 $0x0;
	[bflag:$0x0] =	sbarrier.arrive $0xFFFF  }
0x1d: {  	[tilespmem:s15], [sflag:$0x1] =	stream.indirect.gather [hbm4b:s4+s14], $0x80, s18, s14, $0xb8;
	[tilespmem:$0x1D000] =	vst v63  }
0x1e: {  	_ =	swait.ge [sflag:s16], $0x4000  }
0x1f: {  	[sflag:s16] =	ssyncset.done $0x0  }
0x20: {  	s31 =	simm.s32 $0x2800;
	[sflag:s16] =	ssyncadd.s32 $0xFFFFC000  }
0x21: {  	[spmem:s2] =	stream.indirect.scatter.add.f32 [tilespmem:s15], [sflag:$0x2], $0x80, s31, s14, $0xb8;
	[tilespmem:$0x1D000] =	vst v63  }
0x22: {  	_ =	swait.ge [sflag:s12], $0x4000  }
0x23: {  	s19 =	simm.s32 $0x400;
	s18 =	simm.s32 $0x200;
	[sflag:s12] =	ssyncset.done $0x0  }
.LBB2_2:
0x24: {  	s20 =	sshra.s32 s18, $0x2  }
0x25: {  	[sflag:s12] =	ssyncadd.s32 $0xFFFFC000;
	s18 =	smov.u32 s19;
	s21 =	sadd.s32 $0x200, s19  }
0x26: {  	[tilespmem:s15], [sflag:$0x1] =	stream.indirect.gather [hbm4b:s4+s14], $0x80, s20, s14, $0xb8;
	[tilespmem:$0x1D000] =	vst v63  }
0x27: {  	p0 =	sne.s32 s19, $0x9E00;
	_ =	swait.ge [sflag:s16], $0x4000  }
.Ltmp0:
0x28: {  	[sflag:s16] =	ssyncset.done $0x0;
	(pc) =	sbr.rel @p0 .LBB2_2-.Ltmp0, $4  }
0x29: {  	s19 =	sadd.s32 $0x2800, s20;
	[sflag:s16] =	ssyncadd.s32 $0xFFFFC000  }
0x2a: {  	[spmem:s2] =	stream.indirect.scatter.add.f32 [tilespmem:s15], [sflag:$0x2], $0x80, s19, s14, $0xb8;
	[tilespmem:$0x1D000] =	vst v63  }
0x2b: {  	_ =	swait.ge [sflag:s12], $0x4000  }
0x2c: {  	s19 =	smov.u32 s21;
	[sflag:s12] =	ssyncset.done $0x0  }
0x2d: {  	s18 =	sshra.s32 s18, $0x2;
	[sflag:s12] =	ssyncadd.s32 $0xFFFFC000  }
0x2e: {  	[tilespmem:s15], [sflag:$0x1] =	stream.indirect.gather [hbm4b:s4+s14], $0x80, s18, s14, $0xb8;
	[tilespmem:$0x1D000] =	vst v63  }
0x2f: {  	_ =	swait.ge [sflag:s16], $0x4000  }
0x30: {  	[sflag:s16] =	ssyncset.done $0x0  }
0x31: {  	s18 =	sadd.s32 $0x2800, s18;
	[sflag:s16] =	ssyncadd.s32 $0xFFFFC000  }
0x32: {  	[spmem:s2] =	stream.indirect.scatter.add.f32 [tilespmem:s15], [sflag:$0x2], $0x80, s18, s14, $0xb8;
	[tilespmem:$0x1D000] =	vst v63  }
0x33: {  	_ =	swait.ge [sflag:s12], $0x4000  }
0x34: {  	s17 =	sadd.s32 $0x1, s17;
	[sflag:s12] =	ssyncset.done $0x0  }
0x35: {  	p0 =	sne.s32 s17, s9;
	[sflag:s12] =	ssyncadd.s32 $0xFFFFC000  }
.Ltmp1:
0x36: {  	[bflag:$0x0] =	sbarrier.arrive $0xFFFF;
	(pc) =	sbr.rel @p0 .LBB2_1-.Ltmp1, $4  }
0x37: {  	[hbm:s10], [sflag:s6] =	dma.local [spmem:s11], $0x2800  }
0x38: {  	_ =	swait.ge [sflag:s12], $0x2800  }
0x39: {  	[sflag:s12] =	ssyncset.done $0x0  }
0x3a: {  	[sflag:s12] =	ssyncadd.s32 $0xFFFFD800  }
0x3b: {  	_ =	sfence.sel $0x180000  }
0x3c: {  	[bflag:$0x0] =	sbarrier.arrive $0xFFFF  }
0x3d: {  	p0 =	sne.s32 s0, $0x0;
	_ =	strace $0x9000004A  }
0x3e: {  	s0 =	sadd.s32 @!p0 $0x100000, s1;
	[bflag:$0x2] =	sbarrier.arrive $0xFFFF  }
0x3f: {  	[sflag:s0] =	ssyncadd.tile.s32 @!p0 $0x1;
	_ =	shalt  }
.Lfunc_end2:
_tile_overlayer_lowered:
.L_overlay_start_2:
0x40: {  	(tag) =	ssettag $0x2  }
0x41: {  	s0 =	rddreg [dreg:$0x0];
	s2 =	stileid.u32  }
0x42: {  	s1 =	rddreg [dreg:$0x1];
	p0 =	sne.s32 s2, $0x0  }
0x43: {  	s3 =	rddreg [dreg:$0x2];
	[bflag:$0x3] =	sbarrier.arrive $0xFFFF;
	s2 =	simm.s32 @!p0 $0x1C02  }
0x44: {  	[timem:s3], [sflag:s2] =	dma.local @!p0 [hbm:s0], s1  }
0x45: {  	s0 =	simm.s32 @!p0 $0x2  }
0x46: {  	_ =	swait.ge @!p0 [sflag:s0], s1  }
0x47: {  	s1 =	ssub.s32 @!p0 $0x0, s1;
	[sflag:s0] =	ssyncset.done @!p0 $0x0  }
0x48: {  	[sflag:s0] =	ssyncadd.s32 @!p0 s1  }
0x49: {  	[bflag:$0x3] =	sbarrier.arrive $0xFFFF  }
0x4a: {  	_ =	shalt  }

// kernel: kernel.16.cloned.1.call-start
scs
__scs_entry_jumppad:
0x0: {  	(pc) =	sbr.rel $0x88, $3  }
0x1: {  	(tag) =	ssettag $0x0;
	lr =	simm.s32 $0x1  }
0x2: {  	[smem:$0x3F96] =	sst lr;
	_ =	strace $0xD0000000  }
0x3: {  	_ = 	snop  }
0x4: {  	_ = 	snop  }
0x5: {  	_ = 	snop  }
0x6: {  	_ = 	snop  }
0x7: {  	_ = 	snop  }
__scs_overlays_trampoline_lowered:
0x8: {  	[smem:$0x3FA5] =	sst s0  }
0x9: {  	[smem:$0x3FA6] =	sst s1  }
0xa: {  	[smem:$0x3FA7] =	sst s2  }
0xb: {  	[smem:$0x3FA8] =	sst s3  }
0xc: {  	[smem:$0x3FA9] =	sst s4  }
0xd: {  	[smem:$0x3FAA] =	sst s5  }
0xe: {  	[smem:$0x3FAB] =	sst s6  }
0xf: {  	[smem:$0x3FAC] =	sst s7  }
0x10: {  	[smem:$0x3FAD] =	sst s8  }
0x11: {  	[smem:$0x3FAE] =	sst s9;
	s0 =	simm.s32 @!p0 $0x0  }
0x12: {  	s1 =	sld [smem:$0x3F94];
	s0 =	simm.s32 @p0 $0x1  }
0x13: {  	[smem:$0x3FAF] =	sst s0;
	s0 =	simm.s32 @!p1 $0x0  }
0x14: {  	s2 =	sld [smem:$0x3F93];
	s0 =	simm.s32 @p1 $0x1  }
0x15: {  	[smem:$0x3FB0] =	sst s0;
	s0 =	simm.s32 @!p2 $0x0  }
0x16: {  	s3 =	sld [smem:$0x3FDB];
	s0 =	simm.s32 @p2 $0x1  }
0x17: {  	s4 =	simm.s32 $0x1BF5;
	[smem:$0x3FB2] =	sst s0  }
0x18: {  	s0 =	sld [smem:$0x3F95];
	_ =	swait.ge [sflag:s4], $0x0  }
0x19: {  	s7 =	sld [smem:$0x3F96]  }
0x1a: {  	s8 =	sadd.s32 $0xFFFFE003, lr  }
0x1b: {  	s9 =	sadd.s32 $0xFFFFFEF7, lr;
	s5 =	simm.s32 $0xFFFFFFFF;
	p2 =	slt.u32 s8, $0xFFFFF086  }
0x1c: {  	p1 =	slt.u32 s9, $0xF7A;
	s5 =	simm.s32 @!p2 $0x0  }
0x1d: {  	s5 =	simm.s32 @p1 $0x1;
	p0 =	seq.s32 s7, s2  }
0x1e: {  	s7 =	smul.u32 @!p0 $0xF7A, s2;
	p2 =	seq.s32 @!p0 s5, $0x0  }
0x1f: {  	s9 =	smul.u32 $0xF7A, s1;
	s8 =	simm.s32 @!p0 $0x1BF5;
	p2 =	por !p2, p0  }
0x20: {  	[sflag:s8] =	ssyncset.s32 @!p0 $0xFFFFF086;
	s6 =	sadd.s32 @!p0 s3, s7;
	s7 =	simm.s32 @!p0 $0x108  }
0x21: {  	s3 =	sadd.s32 s3, s9;
	s6 =	sadd.s32 @!p0 $0x88, s6;
	s7 =	simm.s32 @p2 $0x1082  }
0x22: {  	[simem:s7], [sflag:s8] =	dma.local @!p0 [hbm:s6], $0xF7A  }
0x23: {  	s9 =	sor.u32 $0xD0000000, s2;
	s6 =	simm.s32 $0x108;
	_ =	swait.ge @!p0 [sflag:s8], $0x0  }
0x24: {  	s3 =	sadd.s32 $0x88, s3;
	s6 =	simm.s32 @!p1 $0x1082;
	[sflag:s4] =	ssyncset.s32 $0xFFFFF086  }
0x25: {  	[simem:s6], [sflag:s4] =	dma.local [hbm:s3], $0xF7A  }
0x26: {  	[smem:$0x3F96] =	sst s1;
	(tag) =	ssettag s2;
	_ =	strace s9  }
0x27: {  	s1 =	sld [smem:$0x3FA6]  }
0x28: {  	s2 =	sld [smem:$0x3FA7]  }
0x29: {  	s4 =	sld [smem:$0x3FA9]  }
0x2a: {  	p0 =	seq.s32 s5, $0x0;
	s5 =	sld [smem:$0x3FAA]  }
0x2b: {  	s6 =	sld [smem:$0x3FAB]  }
0x2c: {  	s7 =	sld [smem:$0x3FAC]  }
0x2d: {  	s3 =	simm.s32 $0x108;
	s8 =	sld [smem:$0x3FAD]  }
0x2e: {  	s3 =	simm.s32 @!p0 $0x1082;
	s9 =	sld [smem:$0x3FAE]  }
0x2f: {  	lr =	sadd.s32 s0, s3;
	s0 =	sld [smem:$0x3FA5]  }
0x30: {  	s3 =	sld [smem:$0x3FA8]  }
0x31: {  	[smem:$0x3FB1] =	sst s10  }
0x32: {  	s10 =	sld [smem:$0x3FAF];
	_ =	sdelay $0x3  }
0x33: {  	p0 =	seq.s32 s10, $0x1;
	s10 =	sld [smem:$0x3FB1];
	_ =	sdelay $0x3  }
0x34: {  	[smem:$0x3FB1] =	sst s10  }
0x35: {  	s10 =	sld [smem:$0x3FB0];
	_ =	sdelay $0x3  }
0x36: {  	p1 =	seq.s32 s10, $0x1;
	s10 =	sld [smem:$0x3FB1];
	_ =	sdelay $0x3  }
0x37: {  	[smem:$0x3FB1] =	sst s10  }
0x38: {  	s10 =	sld [smem:$0x3FB2]  }
0x39: {  	_ = 	snop;
	(pc) =	sbr.ind lr, $3  }
0x3a: {  	_ = 	snop  }
0x3b: {  	_ = 	snop  }
0x3c: {  	p2 =	seq.s32 s10, $0x1;
	s10 =	sld [smem:$0x3FB1]  }
0x3d: {  	_ =	shalt  }
0x3e: {  	_ =	shalt  }
0x3f: {  	_ =	shalt  }
0x40: {  	_ =	shalt  }
0x41: {  	_ =	shalt  }
0x42: {  	_ =	shalt  }
0x43: {  	_ =	shalt  }
0x44: {  	_ =	shalt  }
0x45: {  	_ =	shalt  }
0x46: {  	_ =	shalt  }
0x47: {  	_ =	shalt  }
0x48: {  	_ =	shalt  }
0x49: {  	_ =	shalt  }
0x4a: {  	_ =	shalt  }
0x4b: {  	_ =	shalt  }
0x4c: {  	_ =	shalt  }
0x4d: {  	_ =	shalt  }
0x4e: {  	_ =	shalt  }
0x4f: {  	_ =	shalt  }
0x50: {  	_ =	shalt  }
0x51: {  	_ =	shalt  }
0x52: {  	_ =	shalt  }
0x53: {  	_ =	shalt  }
0x54: {  	_ =	shalt  }
0x55: {  	_ =	shalt  }
0x56: {  	_ =	shalt  }
0x57: {  	_ =	shalt  }
0x58: {  	_ =	shalt  }
0x59: {  	_ =	shalt  }
0x5a: {  	_ =	shalt  }
0x5b: {  	_ =	shalt  }
0x5c: {  	_ =	shalt  }
0x5d: {  	_ =	shalt  }
0x5e: {  	_ =	shalt  }
0x5f: {  	_ =	shalt  }
0x60: {  	_ =	shalt  }
0x61: {  	_ =	shalt  }
0x62: {  	_ =	shalt  }
0x63: {  	_ =	shalt  }
0x64: {  	_ =	shalt  }
0x65: {  	_ =	shalt  }
0x66: {  	_ =	shalt  }
0x67: {  	_ =	shalt  }
0x68: {  	_ =	shalt  }
0x69: {  	_ =	shalt  }
0x6a: {  	_ =	shalt  }
0x6b: {  	_ =	shalt  }
0x6c: {  	_ =	shalt  }
0x6d: {  	_ =	shalt  }
0x6e: {  	_ =	shalt  }
0x6f: {  	_ =	shalt  }
0x70: {  	_ =	shalt  }
0x71: {  	_ =	shalt  }
0x72: {  	_ =	shalt  }
0x73: {  	_ =	shalt  }
0x74: {  	_ =	shalt  }
0x75: {  	_ =	shalt  }
0x76: {  	_ =	shalt  }
0x77: {  	_ =	shalt  }
0x78: {  	_ =	shalt  }
0x79: {  	_ =	shalt  }
0x7a: {  	_ =	shalt  }
0x7b: {  	_ =	shalt  }
0x7c: {  	_ =	shalt  }
0x7d: {  	_ =	shalt  }
0x7e: {  	_ =	shalt  }
0x7f: {  	_ =	shalt  }
0x80: {  	_ =	shalt  }
0x81: {  	_ =	shalt  }
0x82: {  	_ =	shalt  }
0x83: {  	_ =	shalt  }
0x84: {  	_ =	shalt  }
0x85: {  	_ =	shalt  }
0x86: {  	_ =	shalt  }
0x87: {  	_ =	shalt  }
.Lfunc_end0:
.L_simem_size_0:
called_computation.2_lowered:
.L_overlay_start_0:
0x88: {  	s2 =	sld [smem:$0x3FD9]  }
0x89: {  	s3 =	sld [smem:$0x3FFE];
	_ =	sdelay $0x1  }
0x8a: {  	s1 =	srdreg.scid  }
0x8b: {  	s0 =	sand.u32 $0x1, s1  }
0x8c: {  	s14 =	sshll.u32 s0, $0xA;
	s2 =	sadd.s32 s3, s2  }
0x8d: {  	s2 =	sadd.s32 s2, s14  }
0x8e: {  	[smem:$0x3FBD] =	sst s2  }
0x8f: {  	_ = 	snop  }
0x90: {  	s2 =	sld [smem:$0x3FD0];
	_ =	sdelay $0x2  }
0x91: {  	s15 =	simm.s32 $0xA;
	s4 =	simm.s32 $0x10  }
0x92: {  	[smem:s4], [sflag:s15] =	dma.local [hbm:s2], $0x1  }
0x93: {  	_ =	swait.eq [sflag:s15], $0x1  }
0x94: {  	[sflag:s15] =	ssyncset.done $0x0  }
0x95: {  	[sflag:s15] =	ssyncadd.s32 $0xFFFFFFFF  }
0x96: {  	s16 =	sld [smem:$0x11];
	(tm) =	ssettm $0x1  }
0x97: {  	s17 =	sld [smem:$0x3FFB];
	_ =	sdelay $0x3  }
0x98: {  	_ =	strace s17  }
0x99: {  	s3 =	sld [smem:$0x3FFC];
	_ =	sdelay $0x3  }
0x9a: {  	_ =	strace s3  }
0x9b: {  	s3 =	sld [smem:$0x3FFD];
	_ =	sdelay $0x3  }
0x9c: {  	_ =	strace s3  }
0x9d: {  	_ =	strace $0x8FFFFFFF  }
0x9e: {  	s18 =	sld [smem:$0x3FDB];
	_ =	sdelay $0x1  }
0x9f: {  	s19 =	simm.s32 $_scs_section_size  }
0xa0: {  	s5 =	simm.s32 $_size__tile_overlayer_lowered;
	s6 =	simm.s32 $_tile_overlayer_lowered  }
0xa1: {  	s22 =	simm.s32 $0x1BFF;
	s21 =	sshll.u32 s6, $0x1;
	s3 =	sadd.s32 s19, s18  }
0xa2: {  	s7 =	simm.s32 $0x0;
	s20 =	sshll.u32 s5, $0x1;
	s5 =	sadd.s32 s21, s3  }
0xa3: {  	[timem:s7], [sflag:s22] =	dma.local [hbm:s5], s20  }
0xa4: {  	_ =	swait.ge [sflag:s22], s20  }
0xa5: {  	s4 =	ssub.s32 $0x0, s20;
	[sflag:s22] =	ssyncset.done $0x0  }
0xa6: {  	[sflag:s22] =	ssyncadd.s32 s4;
	_ =	sdelay $0x1  }
0xa7: {  	s23 =	simm.s32 $0x1B8B  }
0xa8: {  	_ =	swait.ge [sflag:s23], $0x1  }
0xa9: {  	[sflag:s23] =	ssyncset.done $0x0  }
0xaa: {  	s25 =	simm.s32 $0x1B8E;
	s24 =	sld [smem:$0x3FFE];
	[sflag:s23] =	ssyncadd.s32 $0xFFFFFFFF  }
0xab: {  	s26 =	simm.s32 $execute0_lowered;
	[smem:$0x3FD2] =	sst s25  }
0xac: {  	s5 =	sshll.u32 s26, $0x1;
	_ =	strace $0x8000004C;
	[dreg:$0x1] =	wrdreg $0xFFFFFFFF  }
0xad: {  	s28 =	simm.s32 $_size_execute0_lowered;
	s3 =	sadd.s32 s3, s5;
	[dreg:$0x0] =	wrdreg $0x0  }
0xae: {  	s5 =	sshll.u32 s28, $0x1;
	[dreg:$0x2] =	wrdreg s3  }
0xaf: {  	[dreg:$0x3] =	wrdreg s5  }
0xb0: {  	[dreg:$0x4] =	wrdreg $0xC0  }
0xb1: {  	_ =	task [dreg:s7], $0x5FFFF  }
0xb2: {  	[dreg:$0x1] =	wrdreg $0xFFFFFFFF  }
0xb3: {  	[dreg:$0x0] =	wrdreg $0x60  }
0xb4: {  	[dreg:$0x2] =	wrdreg s24  }
0xb5: {  	[dreg:$0x3] =	wrdreg s16  }
0xb6: {  	[dreg:$0x4] =	wrdreg $0x90000  }
0xb7: {  	[dreg:$0x5] =	wrdreg $0x9  }
0xb8: {  	_ =	task.clear_ibuf [dreg:s7], $0x6FFFF;
	_ =	strace $0x9000004C  }
0xb9: {  	s29 =	simm.s32 $0x9;
	_ =	strace $0x8000004E  }
0xba: {  	_ =	swait.ge [sflag:s29], $0x1  }
0xbb: {  	[sflag:s29] =	ssyncadd.s32 $0xFFFFFFFF  }
0xbc: {  	_ =	strace $0x9000004E  }
0xbd: {  	_ =	sfence  }
0xbe: {  	s30 =	sld [smem:$0x0];
	_ =	sdelay $0x2  }
0xbf: {  	s31 =	sshll.u32 s1, $0xD;
	s1 =	sshrl.u32 s1, $0x2  }
0xc0: {  	s3 =	sand.u32 $0x4000, s31;
	s1 =	sadd.s32 s1, s30  }
0xc1: {  	s0 =	sor.u32 s3, s0;
	s1 =	sshll.u32 s1, $0x11  }
0xc2: {  	s0 =	sor.u32 s1, s0  }
0xc3: {  	s0 =	sadd.s32 $0x8F2B, s0  }
0xc4: {  	[sflag:s0] =	ssyncadd.remote.s32 $0x1  }
0xc5: {  	_ =	sfence.sel $0xFFFF  }
0xc6: {  	[dreg:$0x0] =	wrdreg $0xFFFFFFFF;
	(pc) =	sbr.abs _section_cstart, $3  }
0xc7: {  	[dreg:$0x1] =	wrdreg $0xFFFFFFFF  }
0xc8: {  	_ =	task.clear_ibuf [dreg:s7], $0x2FFFF;
	_ =	strace $0x9FFFFFFF  }
0xc9: {  	(tm) =	ssettm $0x7FFFFFFF  }
tec
execute0_lowered:
.L_overlay_start_1:
0x0: {  	(tag) =	ssettag $0x1  }
0x1: {  	s5 =	rddreg [dreg:$0x0]  }
0x2: {  	s8 =	rddreg [dreg:$0x1]  }
0x3: {  	s0 =	srdreg.scid;
	s2 =	rddreg [dreg:$0x2]  }
0x4: {  	s3 =	simm.s32 $0x0;
	s15 =	simm.s32 $0x5000;
	s16 =	simm.s32 $0x1  }
0x5: {  	s17 =	simm.s32 $0x0;
	s7 =	sand.u32 $0x1, s0;
	s0 =	stileid.u32  }
0x6: {  	[smem:$0x7FF] =	sst s3;
	s1 =	sshll.u32 s7, $0x4;
	s6 =	smul.u32 $0x2800, s0  }
0x7: {  	s10 =	ssub.s32 $0x2, s7;
	s11 =	smul.u32 $0x50000, s0;
	s31 =	sshll.u32 s0, $0x6  }
0x8: {  	p0 =	seq.s32 s7, $0x1;
	s4 =	sor.u32 s0, s1;
	s1 =	rddreg [dreg:$0x3]  }
0x9: {  	_ =	strace $0x8000004D;
	s13 =	sshrl.u32 s10, $0x1;
	s9 =	smul.u32 $0x500, s4  }
0xa: {  	s4 =	sadd.s32 $0xDA00, s5;
	s14 =	sadd.s32 s6, s5;
	s10 =	ssub.s32 s10, s13  }
0xb: {  	s30 =	sshrl.u32 s11, $0x2;
	s6 =	sor.u32 $0x1C02, s31;
	s13 =	simm.s32 $0x84C00  }
0xc: {  	s11 =	sadd.s32 s30, s2;
	s13 =	simm.s32 @!p0 $0x5CC00;
	s12 =	sadd.s32 s9, s5  }
0xd: {  	s5 =	sadd.s32 $0x34C00, s14;
	s8 =	sadd.s32 s8, s9;
	s9 =	smax.u32 s10, $0x1  }
0xe: {  	s10 =	sadd.s32 s13, s14;
	s11 =	sshrl.u32 s11, $0x3;
	s13 =	simm.s32 $0x2800  }
0xf: {  	s14 =	simm.s32 $0x80;
	s7 =	sadd.s32 $0x3A00, s12;
	s12 =	simm.s32 $0x2  }
.LBB2_1:
0x10: {  	[spmem:s11], [sflag:s6] =	dma.local [hbm:s5], $0x2800  }
0x11: {  	_ =	swait.ge [sflag:s12], $0x2800  }
0x12: {  	[sflag:s12] =	ssyncset.done $0x0  }
0x13: {  	[sflag:s12] =	ssyncadd.s32 $0xFFFFD800  }
0x14: {  	[tilespmem:s3], [sflag:$0x2] =	stream.linear.gather [hbm4b:s7+s3], $0x2800, $0x38;
	[tilespmem:$0x1D000] =	vst v63  }
0x15: {  	_ =	swait.ge [sflag:s12], $0x2800  }
0x16: {  	[sflag:s12] =	ssyncset.done $0x0  }
0x17: {  	[sflag:s12] =	ssyncadd.s32 $0xFFFFD800  }
0x18: {  	[tilespmem:s13], [sflag:$0x2] =	stream.linear.gather [hbm4b:s8+s3], $0x2800, $0x38;
	[tilespmem:$0x1D000] =	vst v63  }
0x19: {  	_ =	swait.ge [sflag:s12], $0x2800  }
0x1a: {  	[sflag:s12] =	ssyncset.done $0x0  }
0x1b: {  	[sflag:s12] =	ssyncadd.s32 $0xFFFFD800  }
0x1c: {  	s18 =	simm.s32 $0x0;
	[bflag:$0x0] =	sbarrier.arrive $0xFFFF  }
0x1d: {  	[tilespmem:s15], [sflag:$0x1] =	stream.indirect.gather [hbm4b:s4+s14], $0x80, s18, s14, $0xb8;
	[tilespmem:$0x1D000] =	vst v63  }
0x1e: {  	_ =	swait.ge [sflag:s16], $0x4000  }
0x1f: {  	[sflag:s16] =	ssyncset.done $0x0  }
0x20: {  	s31 =	simm.s32 $0x2800;
	[sflag:s16] =	ssyncadd.s32 $0xFFFFC000  }
0x21: {  	[spmem:s2] =	stream.indirect.scatter.add.f32 [tilespmem:s15], [sflag:$0x2], $0x80, s31, s14, $0xb8;
	[tilespmem:$0x1D000] =	vst v63  }
0x22: {  	_ =	swait.ge [sflag:s12], $0x4000  }
0x23: {  	s19 =	simm.s32 $0x400;
	s18 =	simm.s32 $0x200;
	[sflag:s12] =	ssyncset.done $0x0  }
.LBB2_2:
0x24: {  	s20 =	sshra.s32 s18, $0x2  }
0x25: {  	[sflag:s12] =	ssyncadd.s32 $0xFFFFC000;
	s18 =	smov.u32 s19;
	s21 =	sadd.s32 $0x200, s19  }
0x26: {  	[tilespmem:s15], [sflag:$0x1] =	stream.indirect.gather [hbm4b:s4+s14], $0x80, s20, s14, $0xb8;
	[tilespmem:$0x1D000] =	vst v63  }
0x27: {  	p0 =	sne.s32 s19, $0x9E00;
	_ =	swait.ge [sflag:s16], $0x4000  }
.Ltmp0:
0x28: {  	[sflag:s16] =	ssyncset.done $0x0;
	(pc) =	sbr.rel @p0 .LBB2_2-.Ltmp0, $4  }
0x29: {  	s19 =	sadd.s32 $0x2800, s20;
	[sflag:s16] =	ssyncadd.s32 $0xFFFFC000  }
0x2a: {  	[spmem:s2] =	stream.indirect.scatter.add.f32 [tilespmem:s15], [sflag:$0x2], $0x80, s19, s14, $0xb8;
	[tilespmem:$0x1D000] =	vst v63  }
0x2b: {  	_ =	swait.ge [sflag:s12], $0x4000  }
0x2c: {  	s19 =	smov.u32 s21;
	[sflag:s12] =	ssyncset.done $0x0  }
0x2d: {  	s18 =	sshra.s32 s18, $0x2;
	[sflag:s12] =	ssyncadd.s32 $0xFFFFC000  }
0x2e: {  	[tilespmem:s15], [sflag:$0x1] =	stream.indirect.gather [hbm4b:s4+s14], $0x80, s18, s14, $0xb8;
	[tilespmem:$0x1D000] =	vst v63  }
0x2f: {  	_ =	swait.ge [sflag:s16], $0x4000  }
0x30: {  	[sflag:s16] =	ssyncset.done $0x0  }
0x31: {  	s18 =	sadd.s32 $0x2800, s18;
	[sflag:s16] =	ssyncadd.s32 $0xFFFFC000  }
0x32: {  	[spmem:s2] =	stream.indirect.scatter.add.f32 [tilespmem:s15], [sflag:$0x2], $0x80, s18, s14, $0xb8;
	[tilespmem:$0x1D000] =	vst v63  }
0x33: {  	_ =	swait.ge [sflag:s12], $0x4000  }
0x34: {  	s17 =	sadd.s32 $0x1, s17;
	[sflag:s12] =	ssyncset.done $0x0  }
0x35: {  	p0 =	sne.s32 s17, s9;
	[sflag:s12] =	ssyncadd.s32 $0xFFFFC000  }
.Ltmp1:
0x36: {  	[bflag:$0x0] =	sbarrier.arrive $0xFFFF;
	(pc) =	sbr.rel @p0 .LBB2_1-.Ltmp1, $4  }
0x37: {  	[hbm:s10], [sflag:s6] =	dma.local [spmem:s11], $0x2800  }
0x38: {  	_ =	swait.ge [sflag:s12], $0x2800  }
0x39: {  	[sflag:s12] =	ssyncset.done $0x0  }
0x3a: {  	[sflag:s12] =	ssyncadd.s32 $0xFFFFD800  }
0x3b: {  	_ =	sfence.sel $0x180000  }
0x3c: {  	[bflag:$0x0] =	sbarrier.arrive $0xFFFF  }
0x3d: {  	p0 =	sne.s32 s0, $0x0;
	_ =	strace $0x9000004D  }
0x3e: {  	s0 =	sadd.s32 @!p0 $0x100000, s1;
	[bflag:$0x2] =	sbarrier.arrive $0xFFFF  }
0x3f: {  	[sflag:s0] =	ssyncadd.tile.s32 @!p0 $0x1;
	_ =	shalt  }
.Lfunc_end2:
_tile_overlayer_lowered:
.L_overlay_start_2:
0x40: {  	(tag) =	ssettag $0x2  }
0x41: {  	s0 =	rddreg [dreg:$0x0];
	s2 =	stileid.u32  }
0x42: {  	s1 =	rddreg [dreg:$0x1];
	p0 =	sne.s32 s2, $0x0  }
0x43: {  	s3 =	rddreg [dreg:$0x2];
	[bflag:$0x3] =	sbarrier.arrive $0xFFFF;
	s2 =	simm.s32 @!p0 $0x1C02  }
0x44: {  	[timem:s3], [sflag:s2] =	dma.local @!p0 [hbm:s0], s1  }
0x45: {  	s0 =	simm.s32 @!p0 $0x2  }
0x46: {  	_ =	swait.ge @!p0 [sflag:s0], s1  }
0x47: {  	s1 =	ssub.s32 @!p0 $0x0, s1;
	[sflag:s0] =	ssyncset.done @!p0 $0x0  }
0x48: {  	[sflag:s0] =	ssyncadd.s32 @!p0 s1  }
0x49: {  	[bflag:$0x3] =	sbarrier.arrive $0xFFFF  }
0x4a: {  	_ =	shalt  }

</sc_bundles>
